<compile_context>
chip_gen: v7x
topology: tpu7x:2x2x1
jax: 0.10.2.dev20260603
libtpu: 0.0.44.dev20260713+nightly
codegen_flags: <defaults>
</compile_context>

<pallas_src>
import functools

import jax
import jax.numpy as jnp
from jax import lax
from jax.experimental import pallas as pl
from jax.experimental.pallas import tpu as pltpu
from jax.experimental.pallas import tpu_sc as plsc

IMG = 512
PS = 16
C = 384
L = (IMG // PS) ** 2
BN = 32
D = PS * PS * 3
S_NUM = 256
SL_NUM = 768
L_NUM = SL_NUM - S_NUM
T_NUM = L - SL_NUM

NC = 2
NS = 16
NW = NC * NS
CH = 64
CHD = 128


def _index_kernel(noise_row_ref, noise_col_ref,
                  gs_ref, gl_ref, gt_ref, ps_ref, pl_ref, pt_ref, flag_ref):
    b = pl.program_id(0)
    v_row = noise_row_ref[0]
    v_col = noise_col_ref[0]

    vr = jnp.broadcast_to(v_row, (L, L))
    vc = jnp.broadcast_to(v_col, (L, L))
    ii = lax.broadcasted_iota(jnp.int32, (L, L), 0)
    jj = lax.broadcasted_iota(jnp.int32, (L, L), 1)
    m = ((vr < vc) | ((vr == vc) & (jj < ii))).astype(jnp.float32)
    rank_col = jnp.sum(m, axis=1, keepdims=True)
    rank_row = (L - 1) - jnp.sum(m, axis=0, keepdims=True)

    def sorted_subset(lo, n):
        rc = lax.slice(rank_col, (lo, 0), (lo + n, 1))
        rr = lax.slice(rank_row, (0, lo), (1, lo + n))
        less = (jnp.broadcast_to(rr, (n, n)) <
                jnp.broadcast_to(rc, (n, n))).astype(jnp.float32)
        slot = jnp.sum(less, axis=1, keepdims=True).astype(jnp.int32)
        kk = lax.broadcasted_iota(jnp.int32, (n, n), 1)
        onehot = (jnp.broadcast_to(slot, (n, n)) == kk).astype(jnp.float32)
        vals = onehot * jnp.broadcast_to(rc, (n, n))
        return jnp.sum(vals, axis=0, keepdims=True)

    idx_s = sorted_subset(0, S_NUM)
    idx_l = sorted_subset(S_NUM, L_NUM)
    idx_t = sorted_subset(SL_NUM, T_NUM)

    base = (b * L).astype(jnp.float32)
    gs_ref[0] = (idx_s + base).astype(jnp.int32)
    gl_ref[0] = (idx_l + base).astype(jnp.int32)
    gt_ref[0] = (idx_t + base).astype(jnp.int32)
    ps_ref[0] = (idx_s + 1.0).astype(jnp.int32)
    pl_ref[0] = (idx_l + 1.0).astype(jnp.int32)
    pt_ref[0] = (idx_t + 1.0).astype(jnp.int32)

    rc_s = lax.slice(rank_col, (0, 0), (S_NUM, 1))
    rr_sl = lax.slice(rank_row, (0, 0), (1, SL_NUM))
    less = (jnp.broadcast_to(rr_sl, (S_NUM, SL_NUM)) <
            jnp.broadcast_to(rc_s, (S_NUM, SL_NUM))).astype(jnp.float32)
    slot = jnp.sum(less, axis=1, keepdims=True).astype(jnp.int32)
    kk = lax.broadcasted_iota(jnp.int32, (S_NUM, SL_NUM), 1)
    onehot = (jnp.broadcast_to(slot, (S_NUM, SL_NUM)) == kk).astype(jnp.float32)
    flags = jnp.sum(onehot, axis=0, keepdims=True)
    flag_ref[0] = (flags > 0.5).astype(jnp.int32)


def _compute_indices(noise):
    nrow = noise.reshape(BN, 1, L)
    ncol = noise.reshape(BN, L, 1)
    outs = pl.pallas_call(
        _index_kernel,
        grid=(BN,),
        in_specs=[
            pl.BlockSpec((1, 1, L), lambda b: (b, 0, 0)),
            pl.BlockSpec((1, L, 1), lambda b: (b, 0, 0)),
        ],
        out_specs=[
            pl.BlockSpec((1, 1, S_NUM), lambda b: (b, 0, 0)),
            pl.BlockSpec((1, 1, L_NUM), lambda b: (b, 0, 0)),
            pl.BlockSpec((1, 1, T_NUM), lambda b: (b, 0, 0)),
            pl.BlockSpec((1, 1, S_NUM), lambda b: (b, 0, 0)),
            pl.BlockSpec((1, 1, L_NUM), lambda b: (b, 0, 0)),
            pl.BlockSpec((1, 1, T_NUM), lambda b: (b, 0, 0)),
            pl.BlockSpec((1, 1, SL_NUM), lambda b: (b, 0, 0)),
        ],
        out_shape=[
            jax.ShapeDtypeStruct((BN, 1, S_NUM), jnp.int32),
            jax.ShapeDtypeStruct((BN, 1, L_NUM), jnp.int32),
            jax.ShapeDtypeStruct((BN, 1, T_NUM), jnp.int32),
            jax.ShapeDtypeStruct((BN, 1, S_NUM), jnp.int32),
            jax.ShapeDtypeStruct((BN, 1, L_NUM), jnp.int32),
            jax.ShapeDtypeStruct((BN, 1, T_NUM), jnp.int32),
            jax.ShapeDtypeStruct((BN, 1, SL_NUM), jnp.int32),
        ],
    )(nrow, ncol)
    return outs


def _sc_gather_kernel(ps_tab, pt_tab, tl_tab, poss_tab, post_tab,
                      gl_idx, gs_idx, gt_idx, pl_idx, ps_idx, pt_idx,
                      tgt_out, gs_out, gt_out, lp_out, pgs_out, pgt_out,
                      idx_v0, idx_v1, buf_d0, buf_c0,
                      sem0, sem1):
    wid = lax.axis_index("s") * NC + lax.axis_index("c")

    def job_seq(table, idx_hbm, out_hbm, ivec, buf, sem, rows_per_w, ch):
        nchunks = rows_per_w // ch
        base = wid * rows_per_w

        def body(i, carry):
            start = base + i * ch
            pltpu.sync_copy(idx_hbm.at[pl.ds(start, ch)], ivec)
            pltpu.async_copy(table.at[ivec], buf, sem).wait()
            pltpu.sync_copy(buf, out_hbm.at[pl.ds(start, ch)])
            return carry

        lax.fori_loop(0, nchunks, body, 0)

    job_seq(ps_tab, gl_idx, tgt_out, idx_v1, buf_d0, sem1,
            (BN * L_NUM) // NW, CHD)
    job_seq(ps_tab, gs_idx, gs_out, idx_v1, buf_d0, sem1,
            (BN * S_NUM) // NW, CHD)
    job_seq(pt_tab, gt_idx, gt_out, idx_v1, buf_d0, sem1,
            (BN * T_NUM) // NW, CHD)
    job_seq(tl_tab, pl_idx, lp_out, idx_v0, buf_c0, sem0,
            (BN * L_NUM) // NW, CH)
    job_seq(poss_tab, ps_idx, pgs_out, idx_v0, buf_c0, sem0,
            (BN * S_NUM) // NW, CH)
    job_seq(post_tab, pt_idx, pgt_out, idx_v0, buf_c0, sem0,
            (BN * T_NUM) // NW, CH)


def _sc_gather(ps_tab, pt_tab, tl_tab, poss_tab, post_tab,
               gl_idx, gs_idx, gt_idx, pl_idx, ps_idx, pt_idx):
    mesh = plsc.VectorSubcoreMesh(core_axis_name="c", subcore_axis_name="s")
    f32 = jnp.float32
    kern = functools.partial(
        pl.kernel,
        mesh=mesh,
        out_type=[
            jax.ShapeDtypeStruct((BN * L_NUM, D), f32),
            jax.ShapeDtypeStruct((BN * S_NUM, D), f32),
            jax.ShapeDtypeStruct((BN * T_NUM, D), f32),
            jax.ShapeDtypeStruct((BN * L_NUM, C), f32),
            jax.ShapeDtypeStruct((BN * S_NUM, C), f32),
            jax.ShapeDtypeStruct((BN * T_NUM, C), f32),
        ],
        scratch_types=[
            pltpu.VMEM((CH,), jnp.int32),
            pltpu.VMEM((CHD,), jnp.int32),
            pltpu.VMEM((CHD, D), f32),
            pltpu.VMEM((CH, C), f32),
            pltpu.SemaphoreType.DMA,
            pltpu.SemaphoreType.DMA,
        ],
    )(_sc_gather_kernel)
    return kern(ps_tab, pt_tab, tl_tab, poss_tab, post_tab,
                gl_idx, gs_idx, gt_idx, pl_idx, ps_idx, pt_idx)


def _embed_kernel(gs_ref, gt_ref, pgs_ref, pgt_ref, w_ref, b_ref,
                  s0_ref, t0_ref, souts_ref, touts_ref):
    w = w_ref[...]
    bias = b_ref[...]
    es = lax.dot_general(gs_ref[0], w, (((1,), (0,)), ((), ())),
                         precision=lax.Precision.HIGHEST,
                         preferred_element_type=jnp.float32)
    souts_ref[0] = jnp.concatenate([s0_ref[...], es + bias + pgs_ref[0]],
                                   axis=0)
    et = lax.dot_general(gt_ref[0], w, (((1,), (0,)), ((), ())),
                         precision=lax.Precision.HIGHEST,
                         preferred_element_type=jnp.float32)
    touts_ref[0] = jnp.concatenate([t0_ref[...], et + bias + pgt_ref[0]],
                                   axis=0)


def _embed(gs, gt, pgs, pgt, w, bias, s0, t0):
    return pl.pallas_call(
        _embed_kernel,
        grid=(BN,),
        in_specs=[
            pl.BlockSpec((1, S_NUM, D), lambda b: (b, 0, 0)),
            pl.BlockSpec((1, T_NUM, D), lambda b: (b, 0, 0)),
            pl.BlockSpec((1, S_NUM, C), lambda b: (b, 0, 0)),
            pl.BlockSpec((1, T_NUM, C), lambda b: (b, 0, 0)),
            pl.BlockSpec((D, C), lambda b: (0, 0)),
            pl.BlockSpec((1, C), lambda b: (0, 0)),
            pl.BlockSpec((1, C), lambda b: (0, 0)),
            pl.BlockSpec((1, C), lambda b: (0, 0)),
        ],
        out_specs=[
            pl.BlockSpec((1, S_NUM + 1, C), lambda b: (b, 0, 0)),
            pl.BlockSpec((1, T_NUM + 1, C), lambda b: (b, 0, 0)),
        ],
        out_shape=[
            jax.ShapeDtypeStruct((BN, S_NUM + 1, C), jnp.float32),
            jax.ShapeDtypeStruct((BN, T_NUM + 1, C), jnp.float32),
        ],
    )(gs, gt, pgs, pgt, w, bias, s0, t0)


def _patchify(imgs):
    n, c, hh, ww = imgs.shape
    h = hh // PS
    w = ww // PS
    x = imgs.reshape(n, c, h, PS, w, PS)
    x = jnp.einsum('nchpwq->nhwpqc', x)
    return x.reshape(n, h * w, PS * PS * c)


def kernel(s_crops, t_crops, noise, W_patch, b_patch, cls_s, cls_t,
           pos_s, pos_t, s_mask_token):
    gs3, gl3, gt3, ps3, pl3, pt3, flag3 = _compute_indices(noise)
    gs_idx = gs3.reshape(BN * S_NUM)
    gl_idx = gl3.reshape(BN * L_NUM)
    gt_idx = gt3.reshape(BN * T_NUM)
    ps_idx = ps3.reshape(BN * S_NUM)
    pl_idx = pl3.reshape(BN * L_NUM)
    pt_idx = pt3.reshape(BN * T_NUM)

    ps_tab = _patchify(s_crops).reshape(BN * L, D)
    pt_tab = _patchify(t_crops).reshape(BN * L, D)
    poss_tab = pos_s.reshape(L + 1, C)
    post_tab = pos_t.reshape(L + 1, C)
    tl_tab = (s_mask_token + pos_s).reshape(L + 1, C)

    tgt, gs, gt, lp, pgs, pgt = _sc_gather(
        ps_tab, pt_tab, tl_tab, poss_tab, post_tab,
        gl_idx, gs_idx, gt_idx, pl_idx, ps_idx, pt_idx)

    s0 = (cls_s + pos_s[:, :1]).reshape(1, C)
    t0 = (cls_t + pos_t[:, :1]).reshape(1, C)
    s_out, t_out = _embed(gs.reshape(BN, S_NUM, D), gt.reshape(BN, T_NUM, D),
                          pgs.reshape(BN, S_NUM, C), pgt.reshape(BN, T_NUM, C),
                          W_patch, b_patch.reshape(1, C), s0, t0)

    l_patches = lp.reshape(BN, L_NUM, C)
    s_global_target = tgt.reshape(BN, L_NUM, D)
    ones_col = jnp.ones((BN, 1), dtype=bool)
    cs_mask = jnp.concatenate(
        [ones_col, (flag3.reshape(BN, SL_NUM) > 0)], axis=1)
    return (s_out, t_out, l_patches, s_global_target, cs_mask)

# --- scband reference (transcript-rebuilt; emitter-appended) ---
"""Pipeline reference for scband-per-a-72739566125152 (READ-ONLY COPY).

The authoritative reference and input builder live on the scoring server;
editing this copy changes nothing except your own understanding.
"""

import jax, jax.numpy as jnp
import numpy as np

IMG = 512
P = 16
C = 384
L = (IMG // P) ** 2
B = 32
S_RATIO = 0.25
T_RATIO = 0.25


def patchify(imgs, p):
    n, c, H, W = imgs.shape
    h = H // p
    w = W // p
    x = imgs.reshape(n, c, h, p, w, p)
    x = jnp.einsum('nchpwq->nhwpqc', x)
    return x.reshape(n, h * w, p * p * c)


def select_true(x, mask, m):
    # rows of `mask` each have exactly m True entries; gather them in order
    order = jnp.argsort(jnp.logical_not(mask).astype(jnp.int32), axis=1)
    idx = order[:, :m]
    if x.ndim == 3:
        return jnp.take_along_axis(x, idx[:, :, None], axis=1)
    return jnp.take_along_axis(x, idx, axis=1)


def setup_inputs(seed: int = 0):
    key = jax.random.key(seed)
    ks = jax.random.split(key, 9)
    return {
        's_crops': jax.random.normal(ks[0], (B, 3, IMG, IMG), jnp.float32),
        't_crops': jax.random.normal(ks[1], (B, 3, IMG, IMG), jnp.float32),
        'noise': jax.random.uniform(ks[2], (B, L), dtype=jnp.float32),
        'W_patch': jax.random.normal(ks[3], (P * P * 3, C), jnp.float32) * 0.02,
        'b_patch': jnp.zeros((C,), jnp.float32),
        'cls_s': jax.random.normal(ks[4], (1, 1, C), jnp.float32) * 0.02,
        'cls_t': jax.random.normal(ks[5], (1, 1, C), jnp.float32) * 0.02,
        'pos_s': jax.random.normal(ks[6], (1, L + 1, C), jnp.float32) * 0.02,
        'pos_t': jax.random.normal(ks[7], (1, L + 1, C), jnp.float32) * 0.02,
        's_mask_token': jax.random.normal(ks[8], (1, 1, C), jnp.float32) * 0.02,
    }


def reference(s_crops, t_crops, noise, W_patch, b_patch, cls_s, cls_t, pos_s, pos_t, s_mask_token):
    # PatchEmbed (conv stride=patch) == patchify + linear
    s_patches = patchify(s_crops, P) @ W_patch + b_patch
    t_patches = patchify(t_crops, P) @ W_patch + b_patch
    Bn, Ln, Cn = s_patches.shape
    all_noise_sort = jnp.argsort(jax.lax.stop_gradient(noise), axis=1)
    s_l_num = int(round(Ln * (1.0 - T_RATIO)))
    s_num = int(round(Ln * S_RATIO))
    s_l_mask = all_noise_sort < s_l_num
    s_mask = all_noise_sort < s_num
    l_mask = s_l_mask & (~s_mask)
    t_mask = ~s_l_mask
    s_l_noise_sort = select_true(all_noise_sort, s_l_mask, s_l_num)
    s_mask_ofsl = s_l_noise_sort < s_num
    ones_col = jnp.ones((Bn, 1), dtype=bool)
    zeros_col = jnp.zeros((Bn, 1), dtype=bool)
    cs_mask_ofcsl = jnp.concatenate([ones_col, s_mask_ofsl], axis=1)
    s_patches = jnp.where(s_mask[:, :, None], s_patches, s_mask_token)
    c_s_mask = jnp.concatenate([ones_col, s_mask], axis=1)
    c_t_mask = jnp.concatenate([ones_col, t_mask], axis=1)
    l_mask_ofcslt = jnp.concatenate([zeros_col, l_mask], axis=1)
    s_patches = jnp.concatenate([jnp.broadcast_to(cls_s, (Bn, 1, Cn)), s_patches], axis=1)
    t_patches = jnp.concatenate([jnp.broadcast_to(cls_t, (Bn, 1, Cn)), t_patches], axis=1)
    s_patches = s_patches + pos_s
    t_patches = t_patches + pos_t
    l_patches = select_true(s_patches, l_mask_ofcslt, s_l_num - s_num)
    s_out = select_true(s_patches, c_s_mask, s_num + 1)
    t_out = select_true(t_patches, c_t_mask, Ln - s_l_num + 1)
    tgt = patchify(s_crops, P)
    s_global_target = select_true(tgt, l_mask, s_l_num - s_num)
    return (s_out, t_out, l_patches, s_global_target, cs_mask_ofcsl)

if __name__ == "__main__":
    import jax
    _d = setup_inputs()
    print(jax.jit(kernel)(*tuple(_d.values())))

</pallas_src>

<mosaic_0001>
#map = affine_map<(d0, d1) -> (0, 0)>
#map1 = affine_map<(d0, d1) -> (0)>
module attributes {stable_mosaic.version = 14 : i64} {
  func.func @_sc_gather_kernel(%arg0: i32, %arg1: i32, %arg2: memref<32768x768xf32, #tpu.memory_space<hbm>>, %arg3: memref<32768x768xf32, #tpu.memory_space<hbm>>, %arg4: memref<1025x384xf32, #tpu.memory_space<hbm>>, %arg5: memref<1025x384xf32, #tpu.memory_space<hbm>>, %arg6: memref<1025x384xf32, #tpu.memory_space<hbm>>, %arg7: memref<16384xi32, #tpu.memory_space<hbm>>, %arg8: memref<8192xi32, #tpu.memory_space<hbm>>, %arg9: memref<8192xi32, #tpu.memory_space<hbm>>, %arg10: memref<16384xi32, #tpu.memory_space<hbm>>, %arg11: memref<8192xi32, #tpu.memory_space<hbm>>, %arg12: memref<8192xi32, #tpu.memory_space<hbm>>, %arg13: memref<16384x768xf32, #tpu.memory_space<hbm>>, %arg14: memref<8192x768xf32, #tpu.memory_space<hbm>>, %arg15: memref<8192x768xf32, #tpu.memory_space<hbm>>, %arg16: memref<16384x384xf32, #tpu.memory_space<hbm>>, %arg17: memref<8192x384xf32, #tpu.memory_space<hbm>>, %arg18: memref<8192x384xf32, #tpu.memory_space<hbm>>, %arg19: memref<64xi32, #tpu.memory_space<vmem>>, %arg20: memref<128xi32, #tpu.memory_space<vmem>>, %arg21: memref<128x768xf32, #tpu.memory_space<vmem>>, %arg22: memref<64x384xf32, #tpu.memory_space<vmem>>, %arg23: memref<!tpu.dma_semaphore, #tpu.memory_space<semaphore_mem>>, %arg24: memref<!tpu.dma_semaphore, #tpu.memory_space<semaphore_mem>>) attributes {dimension_semantics = [#tpu.dimension_semantics<core_parallel>, #tpu.dimension_semantics<subcore_parallel>], iteration_bounds = array<i64: 2, 16>, scalar_prefetch = 0 : i64, scratch_operands = 6 : i64, tpu.core_type = #tpu.core_type<sc_vector_subcore>, window_params = [{transform_indices = #map}, {transform_indices = #map}, {transform_indices = #map}, {transform_indices = #map}, {transform_indices = #map}, {transform_indices = #map1}, {transform_indices = #map1}, {transform_indices = #map1}, {transform_indices = #map1}, {transform_indices = #map1}, {transform_indices = #map1}, {transform_indices = #map}, {transform_indices = #map}, {transform_indices = #map}, {transform_indices = #map}, {transform_indices = #map}, {transform_indices = #map}]} {
    %mul3A = arith.constant 2 : i32
    %mul3A_0 = arith.muli %arg1, %mul3A : i32
    %add3A = arith.addi %mul3A_0, %arg0 : i32
    %mul3A_1 = arith.constant 512 : i32
    %mul3A_2 = arith.muli %add3A, %mul3A_1 : i32
    %scan3A = arith.constant 0 : i32
    %scan3A_3 = arith.constant 0 : i32
    %scan3A_4 = arith.constant 4 : i32
    %scan3A_5 = arith.addi %scan3A_3, %scan3A_4 : i32
    %scan3A_6 = arith.constant 1 : i32
    scf.for %scan3A_48 = %scan3A_3 to %scan3A_5 step %scan3A_6  : i32 {
      %mul3A_49 = arith.constant 128 : i32
      %mul3A_50 = arith.muli %scan3A_48, %mul3A_49 : i32
      %add3A_51 = arith.addi %mul3A_2, %mul3A_50 : i32
      "tpu.region"() ({
        %run_scoped3A = tpu.sem_alloc : memref<!tpu.dma_semaphore, #tpu.memory_space<semaphore_mem>>
        %dma_start3A_56 = tpu.memref_slice %arg7[%add3A_51] : memref<16384xi32, #tpu.memory_space<hbm>> -> memref<128xi32, #tpu.memory_space<hbm>>
        %dma_start3A_57 = tpu.memref_slice %arg7[%add3A_51] : memref<16384xi32, #tpu.memory_space<hbm>> -> memref<128xi32, #tpu.memory_space<hbm>>
        tpu.enqueue_dma source(%dma_start3A_57 : memref<128xi32, #tpu.memory_space<hbm>>) target(%arg20 : memref<128xi32, #tpu.memory_space<vmem>>) target_semaphore(%run_scoped3A : memref<!tpu.dma_semaphore, #tpu.memory_space<semaphore_mem>>)
        %dma_wait3A_58 = tpu.memref_slice %arg7[%add3A_51] : memref<16384xi32, #tpu.memory_space<hbm>> -> memref<128xi32, #tpu.memory_space<hbm>>
        %dma_wait3A_59 = tpu.memref_slice %arg7[%add3A_51] : memref<16384xi32, #tpu.memory_space<hbm>> -> memref<128xi32, #tpu.memory_space<hbm>>
        tpu.wait_dma2 semaphore(%run_scoped3A : memref<!tpu.dma_semaphore, #tpu.memory_space<semaphore_mem>>) src(%dma_wait3A_59 : memref<128xi32, #tpu.memory_space<hbm>>) dst(%arg20 : memref<128xi32, #tpu.memory_space<vmem>>)
        tpu.yield
      }) : () -> ()
      %dma_start3A = arith.constant 0 : i32
      %dma_start3A_52 = arith.constant 0 : i32
      %dma_start3A_53 = tpu.memref_slice %arg2[%dma_start3A, %dma_start3A_52] : memref<32768x768xf32, #tpu.memory_space<hbm>> -> memref<32768x768xf32, #tpu.memory_space<hbm>>
      tpu.enqueue_indirect_dma source(%dma_start3A_53 : memref<32768x768xf32, #tpu.memory_space<hbm>>) target(%arg21 : memref<128x768xf32, #tpu.memory_space<vmem>>) offsets(%arg20 : memref<128xi32, #tpu.memory_space<vmem>>) semaphore(%arg24 : memref<!tpu.dma_semaphore, #tpu.memory_space<semaphore_mem>>)
      %dma_wait3A = arith.constant 0 : i32
      %dma_wait3A_54 = arith.constant 0 : i32
      %dma_wait3A_55 = tpu.memref_slice %arg2[%dma_wait3A, %dma_wait3A_54] : memref<32768x768xf32, #tpu.memory_space<hbm>> -> memref<32768x768xf32, #tpu.memory_space<hbm>>
      tpu.wait_indirect_dma semaphore(%arg24 : memref<!tpu.dma_semaphore, #tpu.memory_space<semaphore_mem>>) src(%dma_wait3A_55 : memref<32768x768xf32, #tpu.memory_space<hbm>>) dst(%arg21 : memref<128x768xf32, #tpu.memory_space<vmem>>)
      "tpu.region"() ({
        %run_scoped3A = tpu.sem_alloc : memref<!tpu.dma_semaphore, #tpu.memory_space<semaphore_mem>>
        %dma_start3A_56 = arith.constant 0 : i32
        %dma_start3A_57 = tpu.memref_slice %arg13[%add3A_51, %dma_start3A_56] : memref<16384x768xf32, #tpu.memory_space<hbm>> -> memref<128x768xf32, #tpu.memory_space<hbm>>
        %dma_start3A_58 = arith.constant 0 : i32
        %dma_start3A_59 = tpu.memref_slice %arg13[%add3A_51, %dma_start3A_58] : memref<16384x768xf32, #tpu.memory_space<hbm>> -> memref<128x768xf32, #tpu.memory_space<hbm>>
        tpu.enqueue_dma source(%arg21 : memref<128x768xf32, #tpu.memory_space<vmem>>) target(%dma_start3A_59 : memref<128x768xf32, #tpu.memory_space<hbm>>) target_semaphore(%run_scoped3A : memref<!tpu.dma_semaphore, #tpu.memory_space<semaphore_mem>>)
        %dma_wait3A_60 = arith.constant 0 : i32
        %dma_wait3A_61 = tpu.memref_slice %arg13[%add3A_51, %dma_wait3A_60] : memref<16384x768xf32, #tpu.memory_space<hbm>> -> memref<128x768xf32, #tpu.memory_space<hbm>>
        %dma_wait3A_62 = arith.constant 0 : i32
        %dma_wait3A_63 = tpu.memref_slice %arg13[%add3A_51, %dma_wait3A_62] : memref<16384x768xf32, #tpu.memory_space<hbm>> -> memref<128x768xf32, #tpu.memory_space<hbm>>
        tpu.wait_dma2 semaphore(%run_scoped3A : memref<!tpu.dma_semaphore, #tpu.memory_space<semaphore_mem>>) src(%arg21 : memref<128x768xf32, #tpu.memory_space<vmem>>) dst(%dma_wait3A_63 : memref<128x768xf32, #tpu.memory_space<hbm>>)
        tpu.yield
      }) : () -> ()
    }
    %scan3A_7 = arith.constant 4 : i32
    %mul3A_8 = arith.constant 256 : i32
    %mul3A_9 = arith.muli %add3A, %mul3A_8 : i32
    %scan3A_10 = arith.constant 0 : i32
    %scan3A_11 = arith.constant 0 : i32
    %scan3A_12 = arith.constant 2 : i32
    %scan3A_13 = arith.addi %scan3A_11, %scan3A_12 : i32
    %scan3A_14 = arith.constant 1 : i32
    scf.for %scan3A_48 = %scan3A_11 to %scan3A_13 step %scan3A_14  : i32 {
      %mul3A_49 = arith.constant 128 : i32
      %mul3A_50 = arith.muli %scan3A_48, %mul3A_49 : i32
      %add3A_51 = arith.addi %mul3A_9, %mul3A_50 : i32
      "tpu.region"() ({
        %run_scoped3A = tpu.sem_alloc : memref<!tpu.dma_semaphore, #tpu.memory_space<semaphore_mem>>
        %dma_start3A_56 = tpu.memref_slice %arg8[%add3A_51] : memref<8192xi32, #tpu.memory_space<hbm>> -> memref<128xi32, #tpu.memory_space<hbm>>
        %dma_start3A_57 = tpu.memref_slice %arg8[%add3A_51] : memref<8192xi32, #tpu.memory_space<hbm>> -> memref<128xi32, #tpu.memory_space<hbm>>
        tpu.enqueue_dma source(%dma_start3A_57 : memref<128xi32, #tpu.memory_space<hbm>>) target(%arg20 : memref<128xi32, #tpu.memory_space<vmem>>) target_semaphore(%run_scoped3A : memref<!tpu.dma_semaphore, #tpu.memory_space<semaphore_mem>>)
        %dma_wait3A_58 = tpu.memref_slice %arg8[%add3A_51] : memref<8192xi32, #tpu.memory_space<hbm>> -> memref<128xi32, #tpu.memory_space<hbm>>
        %dma_wait3A_59 = tpu.memref_slice %arg8[%add3A_51] : memref<8192xi32, #tpu.memory_space<hbm>> -> memref<128xi32, #tpu.memory_space<hbm>>
        tpu.wait_dma2 semaphore(%run_scoped3A : memref<!tpu.dma_semaphore, #tpu.memory_space<semaphore_mem>>) src(%dma_wait3A_59 : memref<128xi32, #tpu.memory_space<hbm>>) dst(%arg20 : memref<128xi32, #tpu.memory_space<vmem>>)
        tpu.yield
      }) : () -> ()
      %dma_start3A = arith.constant 0 : i32
      %dma_start3A_52 = arith.constant 0 : i32
      %dma_start3A_53 = tpu.memref_slice %arg2[%dma_start3A, %dma_start3A_52] : memref<32768x768xf32, #tpu.memory_space<hbm>> -> memref<32768x768xf32, #tpu.memory_space<hbm>>
      tpu.enqueue_indirect_dma source(%dma_start3A_53 : memref<32768x768xf32, #tpu.memory_space<hbm>>) target(%arg21 : memref<128x768xf32, #tpu.memory_space<vmem>>) offsets(%arg20 : memref<128xi32, #tpu.memory_space<vmem>>) semaphore(%arg24 : memref<!tpu.dma_semaphore, #tpu.memory_space<semaphore_mem>>)
      %dma_wait3A = arith.constant 0 : i32
      %dma_wait3A_54 = arith.constant 0 : i32
      %dma_wait3A_55 = tpu.memref_slice %arg2[%dma_wait3A, %dma_wait3A_54] : memref<32768x768xf32, #tpu.memory_space<hbm>> -> memref<32768x768xf32, #tpu.memory_space<hbm>>
      tpu.wait_indirect_dma semaphore(%arg24 : memref<!tpu.dma_semaphore, #tpu.memory_space<semaphore_mem>>) src(%dma_wait3A_55 : memref<32768x768xf32, #tpu.memory_space<hbm>>) dst(%arg21 : memref<128x768xf32, #tpu.memory_space<vmem>>)
      "tpu.region"() ({
        %run_scoped3A = tpu.sem_alloc : memref<!tpu.dma_semaphore, #tpu.memory_space<semaphore_mem>>
        %dma_start3A_56 = arith.constant 0 : i32
        %dma_start3A_57 = tpu.memref_slice %arg14[%add3A_51, %dma_start3A_56] : memref<8192x768xf32, #tpu.memory_space<hbm>> -> memref<128x768xf32, #tpu.memory_space<hbm>>
        %dma_start3A_58 = arith.constant 0 : i32
        %dma_start3A_59 = tpu.memref_slice %arg14[%add3A_51, %dma_start3A_58] : memref<8192x768xf32, #tpu.memory_space<hbm>> -> memref<128x768xf32, #tpu.memory_space<hbm>>
        tpu.enqueue_dma source(%arg21 : memref<128x768xf32, #tpu.memory_space<vmem>>) target(%dma_start3A_59 : memref<128x768xf32, #tpu.memory_space<hbm>>) target_semaphore(%run_scoped3A : memref<!tpu.dma_semaphore, #tpu.memory_space<semaphore_mem>>)
        %dma_wait3A_60 = arith.constant 0 : i32
        %dma_wait3A_61 = tpu.memref_slice %arg14[%add3A_51, %dma_wait3A_60] : memref<8192x768xf32, #tpu.memory_space<hbm>> -> memref<128x768xf32, #tpu.memory_space<hbm>>
        %dma_wait3A_62 = arith.constant 0 : i32
        %dma_wait3A_63 = tpu.memref_slice %arg14[%add3A_51, %dma_wait3A_62] : memref<8192x768xf32, #tpu.memory_space<hbm>> -> memref<128x768xf32, #tpu.memory_space<hbm>>
        tpu.wait_dma2 semaphore(%run_scoped3A : memref<!tpu.dma_semaphore, #tpu.memory_space<semaphore_mem>>) src(%arg21 : memref<128x768xf32, #tpu.memory_space<vmem>>) dst(%dma_wait3A_63 : memref<128x768xf32, #tpu.memory_space<hbm>>)
        tpu.yield
      }) : () -> ()
    }
    %scan3A_15 = arith.constant 2 : i32
    %mul3A_16 = arith.constant 256 : i32
    %mul3A_17 = arith.muli %add3A, %mul3A_16 : i32
    %scan3A_18 = arith.constant 0 : i32
    %scan3A_19 = arith.constant 0 : i32
    %scan3A_20 = arith.constant 2 : i32
    %scan3A_21 = arith.addi %scan3A_19, %scan3A_20 : i32
    %scan3A_22 = arith.constant 1 : i32
    scf.for %scan3A_48 = %scan3A_19 to %scan3A_21 step %scan3A_22  : i32 {
      %mul3A_49 = arith.constant 128 : i32
      %mul3A_50 = arith.muli %scan3A_48, %mul3A_49 : i32
      %add3A_51 = arith.addi %mul3A_17, %mul3A_50 : i32
      "tpu.region"() ({
        %run_scoped3A = tpu.sem_alloc : memref<!tpu.dma_semaphore, #tpu.memory_space<semaphore_mem>>
        %dma_start3A_56 = tpu.memref_slice %arg9[%add3A_51] : memref<8192xi32, #tpu.memory_space<hbm>> -> memref<128xi32, #tpu.memory_space<hbm>>
        %dma_start3A_57 = tpu.memref_slice %arg9[%add3A_51] : memref<8192xi32, #tpu.memory_space<hbm>> -> memref<128xi32, #tpu.memory_space<hbm>>
        tpu.enqueue_dma source(%dma_start3A_57 : memref<128xi32, #tpu.memory_space<hbm>>) target(%arg20 : memref<128xi32, #tpu.memory_space<vmem>>) target_semaphore(%run_scoped3A : memref<!tpu.dma_semaphore, #tpu.memory_space<semaphore_mem>>)
        %dma_wait3A_58 = tpu.memref_slice %arg9[%add3A_51] : memref<8192xi32, #tpu.memory_space<hbm>> -> memref<128xi32, #tpu.memory_space<hbm>>
        %dma_wait3A_59 = tpu.memref_slice %arg9[%add3A_51] : memref<8192xi32, #tpu.memory_space<hbm>> -> memref<128xi32, #tpu.memory_space<hbm>>
        tpu.wait_dma2 semaphore(%run_scoped3A : memref<!tpu.dma_semaphore, #tpu.memory_space<semaphore_mem>>) src(%dma_wait3A_59 : memref<128xi32, #tpu.memory_space<hbm>>) dst(%arg20 : memref<128xi32, #tpu.memory_space<vmem>>)
        tpu.yield
      }) : () -> ()
      %dma_start3A = arith.constant 0 : i32
      %dma_start3A_52 = arith.constant 0 : i32
      %dma_start3A_53 = tpu.memref_slice %arg3[%dma_start3A, %dma_start3A_52] : memref<32768x768xf32, #tpu.memory_space<hbm>> -> memref<32768x768xf32, #tpu.memory_space<hbm>>
      tpu.enqueue_indirect_dma source(%dma_start3A_53 : memref<32768x768xf32, #tpu.memory_space<hbm>>) target(%arg21 : memref<128x768xf32, #tpu.memory_space<vmem>>) offsets(%arg20 : memref<128xi32, #tpu.memory_space<vmem>>) semaphore(%arg24 : memref<!tpu.dma_semaphore, #tpu.memory_space<semaphore_mem>>)
      %dma_wait3A = arith.constant 0 : i32
      %dma_wait3A_54 = arith.constant 0 : i32
      %dma_wait3A_55 = tpu.memref_slice %arg3[%dma_wait3A, %dma_wait3A_54] : memref<32768x768xf32, #tpu.memory_space<hbm>> -> memref<32768x768xf32, #tpu.memory_space<hbm>>
      tpu.wait_indirect_dma semaphore(%arg24 : memref<!tpu.dma_semaphore, #tpu.memory_space<semaphore_mem>>) src(%dma_wait3A_55 : memref<32768x768xf32, #tpu.memory_space<hbm>>) dst(%arg21 : memref<128x768xf32, #tpu.memory_space<vmem>>)
      "tpu.region"() ({
        %run_scoped3A = tpu.sem_alloc : memref<!tpu.dma_semaphore, #tpu.memory_space<semaphore_mem>>
        %dma_start3A_56 = arith.constant 0 : i32
        %dma_start3A_57 = tpu.memref_slice %arg15[%add3A_51, %dma_start3A_56] : memref<8192x768xf32, #tpu.memory_space<hbm>> -> memref<128x768xf32, #tpu.memory_space<hbm>>
        %dma_start3A_58 = arith.constant 0 : i32
        %dma_start3A_59 = tpu.memref_slice %arg15[%add3A_51, %dma_start3A_58] : memref<8192x768xf32, #tpu.memory_space<hbm>> -> memref<128x768xf32, #tpu.memory_space<hbm>>
        tpu.enqueue_dma source(%arg21 : memref<128x768xf32, #tpu.memory_space<vmem>>) target(%dma_start3A_59 : memref<128x768xf32, #tpu.memory_space<hbm>>) target_semaphore(%run_scoped3A : memref<!tpu.dma_semaphore, #tpu.memory_space<semaphore_mem>>)
        %dma_wait3A_60 = arith.constant 0 : i32
        %dma_wait3A_61 = tpu.memref_slice %arg15[%add3A_51, %dma_wait3A_60] : memref<8192x768xf32, #tpu.memory_space<hbm>> -> memref<128x768xf32, #tpu.memory_space<hbm>>
        %dma_wait3A_62 = arith.constant 0 : i32
        %dma_wait3A_63 = tpu.memref_slice %arg15[%add3A_51, %dma_wait3A_62] : memref<8192x768xf32, #tpu.memory_space<hbm>> -> memref<128x768xf32, #tpu.memory_space<hbm>>
        tpu.wait_dma2 semaphore(%run_scoped3A : memref<!tpu.dma_semaphore, #tpu.memory_space<semaphore_mem>>) src(%arg21 : memref<128x768xf32, #tpu.memory_space<vmem>>) dst(%dma_wait3A_63 : memref<128x768xf32, #tpu.memory_space<hbm>>)
        tpu.yield
      }) : () -> ()
    }
    %scan3A_23 = arith.constant 2 : i32
    %mul3A_24 = arith.constant 512 : i32
    %mul3A_25 = arith.muli %add3A, %mul3A_24 : i32
    %scan3A_26 = arith.constant 0 : i32
    %scan3A_27 = arith.constant 0 : i32
    %scan3A_28 = arith.constant 8 : i32
    %scan3A_29 = arith.addi %scan3A_27, %scan3A_28 : i32
    %scan3A_30 = arith.constant 1 : i32
    scf.for %scan3A_48 = %scan3A_27 to %scan3A_29 step %scan3A_30  : i32 {
      %mul3A_49 = arith.constant 64 : i32
      %mul3A_50 = arith.muli %scan3A_48, %mul3A_49 : i32
      %add3A_51 = arith.addi %mul3A_25, %mul3A_50 : i32
      "tpu.region"() ({
        %run_scoped3A = tpu.sem_alloc : memref<!tpu.dma_semaphore, #tpu.memory_space<semaphore_mem>>
        %dma_start3A_56 = tpu.memref_slice %arg10[%add3A_51] : memref<16384xi32, #tpu.memory_space<hbm>> -> memref<64xi32, #tpu.memory_space<hbm>>
        %dma_start3A_57 = tpu.memref_slice %arg10[%add3A_51] : memref<16384xi32, #tpu.memory_space<hbm>> -> memref<64xi32, #tpu.memory_space<hbm>>
        tpu.enqueue_dma source(%dma_start3A_57 : memref<64xi32, #tpu.memory_space<hbm>>) target(%arg19 : memref<64xi32, #tpu.memory_space<vmem>>) target_semaphore(%run_scoped3A : memref<!tpu.dma_semaphore, #tpu.memory_space<semaphore_mem>>)
        %dma_wait3A_58 = tpu.memref_slice %arg10[%add3A_51] : memref<16384xi32, #tpu.memory_space<hbm>> -> memref<64xi32, #tpu.memory_space<hbm>>
        %dma_wait3A_59 = tpu.memref_slice %arg10[%add3A_51] : memref<16384xi32, #tpu.memory_space<hbm>> -> memref<64xi32, #tpu.memory_space<hbm>>
        tpu.wait_dma2 semaphore(%run_scoped3A : memref<!tpu.dma_semaphore, #tpu.memory_space<semaphore_mem>>) src(%dma_wait3A_59 : memref<64xi32, #tpu.memory_space<hbm>>) dst(%arg19 : memref<64xi32, #tpu.memory_space<vmem>>)
        tpu.yield
      }) : () -> ()
      %dma_start3A = arith.constant 0 : i32
      %dma_start3A_52 = arith.constant 0 : i32
      %dma_start3A_53 = tpu.memref_slice %arg4[%dma_start3A, %dma_start3A_52] : memref<1025x384xf32, #tpu.memory_space<hbm>> -> memref<1025x384xf32, #tpu.memory_space<hbm>>
      tpu.enqueue_indirect_dma source(%dma_start3A_53 : memref<1025x384xf32, #tpu.memory_space<hbm>>) target(%arg22 : memref<64x384xf32, #tpu.memory_space<vmem>>) offsets(%arg19 : memref<64xi32, #tpu.memory_space<vmem>>) semaphore(%arg23 : memref<!tpu.dma_semaphore, #tpu.memory_space<semaphore_mem>>)
      %dma_wait3A = arith.constant 0 : i32
      %dma_wait3A_54 = arith.constant 0 : i32
      %dma_wait3A_55 = tpu.memref_slice %arg4[%dma_wait3A, %dma_wait3A_54] : memref<1025x384xf32, #tpu.memory_space<hbm>> -> memref<1025x384xf32, #tpu.memory_space<hbm>>
      tpu.wait_indirect_dma semaphore(%arg23 : memref<!tpu.dma_semaphore, #tpu.memory_space<semaphore_mem>>) src(%dma_wait3A_55 : memref<1025x384xf32, #tpu.memory_space<hbm>>) dst(%arg22 : memref<64x384xf32, #tpu.memory_space<vmem>>)
      "tpu.region"() ({
        %run_scoped3A = tpu.sem_alloc : memref<!tpu.dma_semaphore, #tpu.memory_space<semaphore_mem>>
        %dma_start3A_56 = arith.constant 0 : i32
        %dma_start3A_57 = tpu.memref_slice %arg16[%add3A_51, %dma_start3A_56] : memref<16384x384xf32, #tpu.memory_space<hbm>> -> memref<64x384xf32, #tpu.memory_space<hbm>>
        %dma_start3A_58 = arith.constant 0 : i32
        %dma_start3A_59 = tpu.memref_slice %arg16[%add3A_51, %dma_start3A_58] : memref<16384x384xf32, #tpu.memory_space<hbm>> -> memref<64x384xf32, #tpu.memory_space<hbm>>
        tpu.enqueue_dma source(%arg22 : memref<64x384xf32, #tpu.memory_space<vmem>>) target(%dma_start3A_59 : memref<64x384xf32, #tpu.memory_space<hbm>>) target_semaphore(%run_scoped3A : memref<!tpu.dma_semaphore, #tpu.memory_space<semaphore_mem>>)
        %dma_wait3A_60 = arith.constant 0 : i32
        %dma_wait3A_61 = tpu.memref_slice %arg16[%add3A_51, %dma_wait3A_60] : memref<16384x384xf32, #tpu.memory_space<hbm>> -> memref<64x384xf32, #tpu.memory_space<hbm>>
        %dma_wait3A_62 = arith.constant 0 : i32
        %dma_wait3A_63 = tpu.memref_slice %arg16[%add3A_51, %dma_wait3A_62] : memref<16384x384xf32, #tpu.memory_space<hbm>> -> memref<64x384xf32, #tpu.memory_space<hbm>>
        tpu.wait_dma2 semaphore(%run_scoped3A : memref<!tpu.dma_semaphore, #tpu.memory_space<semaphore_mem>>) src(%arg22 : memref<64x384xf32, #tpu.memory_space<vmem>>) dst(%dma_wait3A_63 : memref<64x384xf32, #tpu.memory_space<hbm>>)
        tpu.yield
      }) : () -> ()
    }
    %scan3A_31 = arith.constant 8 : i32
    %mul3A_32 = arith.constant 256 : i32
    %mul3A_33 = arith.muli %add3A, %mul3A_32 : i32
    %scan3A_34 = arith.constant 0 : i32
    %scan3A_35 = arith.constant 0 : i32
    %scan3A_36 = arith.constant 4 : i32
    %scan3A_37 = arith.addi %scan3A_35, %scan3A_36 : i32
    %scan3A_38 = arith.constant 1 : i32
    scf.for %scan3A_48 = %scan3A_35 to %scan3A_37 step %scan3A_38  : i32 {
      %mul3A_49 = arith.constant 64 : i32
      %mul3A_50 = arith.muli %scan3A_48, %mul3A_49 : i32
      %add3A_51 = arith.addi %mul3A_33, %mul3A_50 : i32
      "tpu.region"() ({
        %run_scoped3A = tpu.sem_alloc : memref<!tpu.dma_semaphore, #tpu.memory_space<semaphore_mem>>
        %dma_start3A_56 = tpu.memref_slice %arg11[%add3A_51] : memref<8192xi32, #tpu.memory_space<hbm>> -> memref<64xi32, #tpu.memory_space<hbm>>
        %dma_start3A_57 = tpu.memref_slice %arg11[%add3A_51] : memref<8192xi32, #tpu.memory_space<hbm>> -> memref<64xi32, #tpu.memory_space<hbm>>
        tpu.enqueue_dma source(%dma_start3A_57 : memref<64xi32, #tpu.memory_space<hbm>>) target(%arg19 : memref<64xi32, #tpu.memory_space<vmem>>) target_semaphore(%run_scoped3A : memref<!tpu.dma_semaphore, #tpu.memory_space<semaphore_mem>>)
        %dma_wait3A_58 = tpu.memref_slice %arg11[%add3A_51] : memref<8192xi32, #tpu.memory_space<hbm>> -> memref<64xi32, #tpu.memory_space<hbm>>
        %dma_wait3A_59 = tpu.memref_slice %arg11[%add3A_51] : memref<8192xi32, #tpu.memory_space<hbm>> -> memref<64xi32, #tpu.memory_space<hbm>>
        tpu.wait_dma2 semaphore(%run_scoped3A : memref<!tpu.dma_semaphore, #tpu.memory_space<semaphore_mem>>) src(%dma_wait3A_59 : memref<64xi32, #tpu.memory_space<hbm>>) dst(%arg19 : memref<64xi32, #tpu.memory_space<vmem>>)
        tpu.yield
      }) : () -> ()
      %dma_start3A = arith.constant 0 : i32
      %dma_start3A_52 = arith.constant 0 : i32
      %dma_start3A_53 = tpu.memref_slice %arg5[%dma_start3A, %dma_start3A_52] : memref<1025x384xf32, #tpu.memory_space<hbm>> -> memref<1025x384xf32, #tpu.memory_space<hbm>>
      tpu.enqueue_indirect_dma source(%dma_start3A_53 : memref<1025x384xf32, #tpu.memory_space<hbm>>) target(%arg22 : memref<64x384xf32, #tpu.memory_space<vmem>>) offsets(%arg19 : memref<64xi32, #tpu.memory_space<vmem>>) semaphore(%arg23 : memref<!tpu.dma_semaphore, #tpu.memory_space<semaphore_mem>>)
      %dma_wait3A = arith.constant 0 : i32
      %dma_wait3A_54 = arith.constant 0 : i32
      %dma_wait3A_55 = tpu.memref_slice %arg5[%dma_wait3A, %dma_wait3A_54] : memref<1025x384xf32, #tpu.memory_space<hbm>> -> memref<1025x384xf32, #tpu.memory_space<hbm>>
      tpu.wait_indirect_dma semaphore(%arg23 : memref<!tpu.dma_semaphore, #tpu.memory_space<semaphore_mem>>) src(%dma_wait3A_55 : memref<1025x384xf32, #tpu.memory_space<hbm>>) dst(%arg22 : memref<64x384xf32, #tpu.memory_space<vmem>>)
      "tpu.region"() ({
        %run_scoped3A = tpu.sem_alloc : memref<!tpu.dma_semaphore, #tpu.memory_space<semaphore_mem>>
        %dma_start3A_56 = arith.constant 0 : i32
        %dma_start3A_57 = tpu.memref_slice %arg17[%add3A_51, %dma_start3A_56] : memref<8192x384xf32, #tpu.memory_space<hbm>> -> memref<64x384xf32, #tpu.memory_space<hbm>>
        %dma_start3A_58 = arith.constant 0 : i32
        %dma_start3A_59 = tpu.memref_slice %arg17[%add3A_51, %dma_start3A_58] : memref<8192x384xf32, #tpu.memory_space<hbm>> -> memref<64x384xf32, #tpu.memory_space<hbm>>
        tpu.enqueue_dma source(%arg22 : memref<64x384xf32, #tpu.memory_space<vmem>>) target(%dma_start3A_59 : memref<64x384xf32, #tpu.memory_space<hbm>>) target_semaphore(%run_scoped3A : memref<!tpu.dma_semaphore, #tpu.memory_space<semaphore_mem>>)
        %dma_wait3A_60 = arith.constant 0 : i32
        %dma_wait3A_61 = tpu.memref_slice %arg17[%add3A_51, %dma_wait3A_60] : memref<8192x384xf32, #tpu.memory_space<hbm>> -> memref<64x384xf32, #tpu.memory_space<hbm>>
        %dma_wait3A_62 = arith.constant 0 : i32
        %dma_wait3A_63 = tpu.memref_slice %arg17[%add3A_51, %dma_wait3A_62] : memref<8192x384xf32, #tpu.memory_space<hbm>> -> memref<64x384xf32, #tpu.memory_space<hbm>>
        tpu.wait_dma2 semaphore(%run_scoped3A : memref<!tpu.dma_semaphore, #tpu.memory_space<semaphore_mem>>) src(%arg22 : memref<64x384xf32, #tpu.memory_space<vmem>>) dst(%dma_wait3A_63 : memref<64x384xf32, #tpu.memory_space<hbm>>)
        tpu.yield
      }) : () -> ()
    }
    %scan3A_39 = arith.constant 4 : i32
    %mul3A_40 = arith.constant 256 : i32
    %mul3A_41 = arith.muli %add3A, %mul3A_40 : i32
    %scan3A_42 = arith.constant 0 : i32
    %scan3A_43 = arith.constant 0 : i32
    %scan3A_44 = arith.constant 4 : i32
    %scan3A_45 = arith.addi %scan3A_43, %scan3A_44 : i32
    %scan3A_46 = arith.constant 1 : i32
    scf.for %scan3A_48 = %scan3A_43 to %scan3A_45 step %scan3A_46  : i32 {
      %mul3A_49 = arith.constant 64 : i32
      %mul3A_50 = arith.muli %scan3A_48, %mul3A_49 : i32
      %add3A_51 = arith.addi %mul3A_41, %mul3A_50 : i32
      "tpu.region"() ({
        %run_scoped3A = tpu.sem_alloc : memref<!tpu.dma_semaphore, #tpu.memory_space<semaphore_mem>>
        %dma_start3A_56 = tpu.memref_slice %arg12[%add3A_51] : memref<8192xi32, #tpu.memory_space<hbm>> -> memref<64xi32, #tpu.memory_space<hbm>>
        %dma_start3A_57 = tpu.memref_slice %arg12[%add3A_51] : memref<8192xi32, #tpu.memory_space<hbm>> -> memref<64xi32, #tpu.memory_space<hbm>>
        tpu.enqueue_dma source(%dma_start3A_57 : memref<64xi32, #tpu.memory_space<hbm>>) target(%arg19 : memref<64xi32, #tpu.memory_space<vmem>>) target_semaphore(%run_scoped3A : memref<!tpu.dma_semaphore, #tpu.memory_space<semaphore_mem>>)
        %dma_wait3A_58 = tpu.memref_slice %arg12[%add3A_51] : memref<8192xi32, #tpu.memory_space<hbm>> -> memref<64xi32, #tpu.memory_space<hbm>>
        %dma_wait3A_59 = tpu.memref_slice %arg12[%add3A_51] : memref<8192xi32, #tpu.memory_space<hbm>> -> memref<64xi32, #tpu.memory_space<hbm>>
        tpu.wait_dma2 semaphore(%run_scoped3A : memref<!tpu.dma_semaphore, #tpu.memory_space<semaphore_mem>>) src(%dma_wait3A_59 : memref<64xi32, #tpu.memory_space<hbm>>) dst(%arg19 : memref<64xi32, #tpu.memory_space<vmem>>)
        tpu.yield
      }) : () -> ()
      %dma_start3A = arith.constant 0 : i32
      %dma_start3A_52 = arith.constant 0 : i32
      %dma_start3A_53 = tpu.memref_slice %arg6[%dma_start3A, %dma_start3A_52] : memref<1025x384xf32, #tpu.memory_space<hbm>> -> memref<1025x384xf32, #tpu.memory_space<hbm>>
      tpu.enqueue_indirect_dma source(%dma_start3A_53 : memref<1025x384xf32, #tpu.memory_space<hbm>>) target(%arg22 : memref<64x384xf32, #tpu.memory_space<vmem>>) offsets(%arg19 : memref<64xi32, #tpu.memory_space<vmem>>) semaphore(%arg23 : memref<!tpu.dma_semaphore, #tpu.memory_space<semaphore_mem>>)
      %dma_wait3A = arith.constant 0 : i32
      %dma_wait3A_54 = arith.constant 0 : i32
      %dma_wait3A_55 = tpu.memref_slice %arg6[%dma_wait3A, %dma_wait3A_54] : memref<1025x384xf32, #tpu.memory_space<hbm>> -> memref<1025x384xf32, #tpu.memory_space<hbm>>
      tpu.wait_indirect_dma semaphore(%arg23 : memref<!tpu.dma_semaphore, #tpu.memory_space<semaphore_mem>>) src(%dma_wait3A_55 : memref<1025x384xf32, #tpu.memory_space<hbm>>) dst(%arg22 : memref<64x384xf32, #tpu.memory_space<vmem>>)
      "tpu.region"() ({
        %run_scoped3A = tpu.sem_alloc : memref<!tpu.dma_semaphore, #tpu.memory_space<semaphore_mem>>
        %dma_start3A_56 = arith.constant 0 : i32
        %dma_start3A_57 = tpu.memref_slice %arg18[%add3A_51, %dma_start3A_56] : memref<8192x384xf32, #tpu.memory_space<hbm>> -> memref<64x384xf32, #tpu.memory_space<hbm>>
        %dma_start3A_58 = arith.constant 0 : i32
        %dma_start3A_59 = tpu.memref_slice %arg18[%add3A_51, %dma_start3A_58] : memref<8192x384xf32, #tpu.memory_space<hbm>> -> memref<64x384xf32, #tpu.memory_space<hbm>>
        tpu.enqueue_dma source(%arg22 : memref<64x384xf32, #tpu.memory_space<vmem>>) target(%dma_start3A_59 : memref<64x384xf32, #tpu.memory_space<hbm>>) target_semaphore(%run_scoped3A : memref<!tpu.dma_semaphore, #tpu.memory_space<semaphore_mem>>)
        %dma_wait3A_60 = arith.constant 0 : i32
        %dma_wait3A_61 = tpu.memref_slice %arg18[%add3A_51, %dma_wait3A_60] : memref<8192x384xf32, #tpu.memory_space<hbm>> -> memref<64x384xf32, #tpu.memory_space<hbm>>
        %dma_wait3A_62 = arith.constant 0 : i32
        %dma_wait3A_63 = tpu.memref_slice %arg18[%add3A_51, %dma_wait3A_62] : memref<8192x384xf32, #tpu.memory_space<hbm>> -> memref<64x384xf32, #tpu.memory_space<hbm>>
        tpu.wait_dma2 semaphore(%run_scoped3A : memref<!tpu.dma_semaphore, #tpu.memory_space<semaphore_mem>>) src(%arg22 : memref<64x384xf32, #tpu.memory_space<vmem>>) dst(%dma_wait3A_63 : memref<64x384xf32, #tpu.memory_space<hbm>>)
        tpu.yield
      }) : () -> ()
    }
    %scan3A_47 = arith.constant 4 : i32
    return
  }
}

module attributes {stable_mosaic.version = 14 : i64} {
  func.func @_index_kernel(%arg0: i32, %arg1: memref<1x1x1024xf32, #tpu.memory_space<vmem>>, %arg2: memref<1x1024x1xf32, #tpu.memory_space<vmem>>, %arg3: memref<1x1x256xi32, #tpu.memory_space<vmem>>, %arg4: memref<1x1x512xi32, #tpu.memory_space<vmem>>, %arg5: memref<1x1x256xi32, #tpu.memory_space<vmem>>, %arg6: memref<1x1x256xi32, #tpu.memory_space<vmem>>, %arg7: memref<1x1x512xi32, #tpu.memory_space<vmem>>, %arg8: memref<1x1x256xi32, #tpu.memory_space<vmem>>, %arg9: memref<1x1x768xi32, #tpu.memory_space<vmem>>) attributes {dimension_semantics = [#tpu.dimension_semantics<arbitrary>], iteration_bounds = array<i64: 32>, scalar_prefetch = 0 : i64, scratch_operands = 0 : i64, tpu.core_type = #tpu.core_type<tc>, window_params = [{transform_indices = @transform_0, window_bounds = array<i64: 1, 1, 1024>}, {transform_indices = @transform_1, window_bounds = array<i64: 1, 1024, 1>}, {transform_indices = @transform_2, window_bounds = array<i64: 1, 1, 256>}, {transform_indices = @transform_3, window_bounds = array<i64: 1, 1, 512>}, {transform_indices = @transform_4, window_bounds = array<i64: 1, 1, 256>}, {transform_indices = @transform_5, window_bounds = array<i64: 1, 1, 256>}, {transform_indices = @transform_6, window_bounds = array<i64: 1, 1, 512>}, {transform_indices = @transform_7, window_bounds = array<i64: 1, 1, 256>}, {transform_indices = @transform_8, window_bounds = array<i64: 1, 1, 768>}]} {
    %get3A = arith.constant 0 : index
    %get3A_0 = arith.constant 0 : index
    %get3A_1 = arith.constant 0 : index
    %get3A_2 = vector.load %arg1[%get3A, %get3A_0, %get3A_1] : memref<1x1x1024xf32, #tpu.memory_space<vmem>>, vector<1x1x1024xf32>
    %get3A_3 = vector.shape_cast %get3A_2 : vector<1x1x1024xf32> to vector<1x1024xf32>
    %get3A_4 = arith.constant 0 : index
    %get3A_5 = arith.constant 0 : index
    %get3A_6 = arith.constant 0 : index
    %get3A_7 = vector.load %arg2[%get3A_4, %get3A_5, %get3A_6] : memref<1x1024x1xf32, #tpu.memory_space<vmem>>, vector<1x1024x1xf32>
    %get3A_8 = vector.shape_cast %get3A_7 : vector<1x1024x1xf32> to vector<1024x1xf32>
    %broadcast_in_dim3A = vector.shape_cast %get3A_3 : vector<1x1024xf32> to vector<1x1024xf32>
    %broadcast_in_dim3A_9 = vector.broadcast %broadcast_in_dim3A : vector<1x1024xf32> to vector<1024x1024xf32>
    %broadcast_in_dim3A_10 = vector.shape_cast %get3A_8 : vector<1024x1xf32> to vector<1024x1xf32>
    %broadcast_in_dim3A_11 = vector.broadcast %broadcast_in_dim3A_10 : vector<1024x1xf32> to vector<1024x1024xf32>
    %iota3A = tpu.iota {dimensions = array<i32: 0>} : vector<1024x1024xi32>
    %iota3A_12 = tpu.iota {dimensions = array<i32: 1>} : vector<1024x1024xi32>
    %lt3A = arith.cmpf olt, %broadcast_in_dim3A_9, %broadcast_in_dim3A_11 : vector<1024x1024xf32>
    %eq3A = arith.cmpf oeq, %broadcast_in_dim3A_9, %broadcast_in_dim3A_11 : vector<1024x1024xf32>
    %lt3A_13 = arith.cmpi slt, %iota3A_12, %iota3A : vector<1024x1024xi32>
    %and3A = arith.andi %eq3A, %lt3A_13 : vector<1024x1024xi1>
    %or3A = arith.ori %lt3A, %and3A : vector<1024x1024xi1>
    %convert_element_type3A = arith.extui %or3A : vector<1024x1024xi1> to vector<1024x1024xi32>
    %convert_element_type3A_14 = arith.sitofp %convert_element_type3A : vector<1024x1024xi32> to vector<1024x1024xf32>
    %reduce_sum3A = arith.constant dense<0.000000e+00> : vector<1024xf32>
    %reduce_sum3A_15 = vector.multi_reduction <add>, %convert_element_type3A_14, %reduce_sum3A [1] : vector<1024x1024xf32> to vector<1024xf32>
    %broadcast_in_dim3A_16 = vector.shape_cast %reduce_sum3A_15 : vector<1024xf32> to vector<1024x1xf32>
    %reduce_sum3A_17 = arith.constant dense<0.000000e+00> : vector<1024xf32>
    %reduce_sum3A_18 = vector.multi_reduction <add>, %convert_element_type3A_14, %reduce_sum3A_17 [0] : vector<1024x1024xf32> to vector<1024xf32>
    %broadcast_in_dim3A_19 = vector.shape_cast %reduce_sum3A_18 : vector<1024xf32> to vector<1x1024xf32>
    %sub3A = arith.constant 1.023000e+03 : f32
    %sub3A_20 = vector.broadcast %sub3A : f32 to vector<1x1024xf32>
    %sub3A_21 = arith.subf %sub3A_20, %broadcast_in_dim3A_19 : vector<1x1024xf32>
    %slice3A = vector.extract_strided_slice %broadcast_in_dim3A_16 {offsets = [0, 0], sizes = [256, 1], strides = [1, 1]} : vector<1024x1xf32> to vector<256x1xf32>
    %slice3A_22 = vector.extract_strided_slice %sub3A_21 {offsets = [0, 0], sizes = [1, 256], strides = [1, 1]} : vector<1x1024xf32> to vector<1x256xf32>
    %broadcast_in_dim3A_23 = vector.shape_cast %slice3A_22 : vector<1x256xf32> to vector<1x256xf32>
    %broadcast_in_dim3A_24 = vector.broadcast %broadcast_in_dim3A_23 : vector<1x256xf32> to vector<256x256xf32>
    %broadcast_in_dim3A_25 = vector.shape_cast %slice3A : vector<256x1xf32> to vector<256x1xf32>
    %broadcast_in_dim3A_26 = vector.broadcast %broadcast_in_dim3A_25 : vector<256x1xf32> to vector<256x256xf32>
    %lt3A_27 = arith.cmpf olt, %broadcast_in_dim3A_24, %broadcast_in_dim3A_26 : vector<256x256xf32>
    %convert_element_type3A_28 = arith.extui %lt3A_27 : vector<256x256xi1> to vector<256x256xi32>
    %convert_element_type3A_29 = arith.sitofp %convert_element_type3A_28 : vector<256x256xi32> to vector<256x256xf32>
    %reduce_sum3A_30 = arith.constant dense<0.000000e+00> : vector<256xf32>
    %reduce_sum3A_31 = vector.multi_reduction <add>, %convert_element_type3A_29, %reduce_sum3A_30 [1] : vector<256x256xf32> to vector<256xf32>
    %broadcast_in_dim3A_32 = vector.shape_cast %reduce_sum3A_31 : vector<256xf32> to vector<256x1xf32>
    %convert_element_type3A_33 = arith.fptosi %broadcast_in_dim3A_32 : vector<256x1xf32> to vector<256x1xi32>
    %iota3A_34 = tpu.iota {dimensions = array<i32: 1>} : vector<256x256xi32>
    %broadcast_in_dim3A_35 = vector.shape_cast %convert_element_type3A_33 : vector<256x1xi32> to vector<256x1xi32>
    %broadcast_in_dim3A_36 = vector.broadcast %broadcast_in_dim3A_35 : vector<256x1xi32> to vector<256x256xi32>
    %eq3A_37 = arith.cmpi eq, %broadcast_in_dim3A_36, %iota3A_34 : vector<256x256xi32>
    %convert_element_type3A_38 = arith.extui %eq3A_37 : vector<256x256xi1> to vector<256x256xi32>
    %convert_element_type3A_39 = arith.sitofp %convert_element_type3A_38 : vector<256x256xi32> to vector<256x256xf32>
    %broadcast_in_dim3A_40 = vector.shape_cast %slice3A : vector<256x1xf32> to vector<256x1xf32>
    %broadcast_in_dim3A_41 = vector.broadcast %broadcast_in_dim3A_40 : vector<256x1xf32> to vector<256x256xf32>
    %mul3A = arith.mulf %convert_element_type3A_39, %broadcast_in_dim3A_41 : vector<256x256xf32>
    %reduce_sum3A_42 = arith.constant dense<0.000000e+00> : vector<256xf32>
    %reduce_sum3A_43 = vector.multi_reduction <add>, %mul3A, %reduce_sum3A_42 [0] : vector<256x256xf32> to vector<256xf32>
    %broadcast_in_dim3A_44 = vector.shape_cast %reduce_sum3A_43 : vector<256xf32> to vector<1x256xf32>
    %slice3A_45 = vector.extract_strided_slice %broadcast_in_dim3A_16 {offsets = [256, 0], sizes = [512, 1], strides = [1, 1]} : vector<1024x1xf32> to vector<512x1xf32>
    %slice3A_46 = vector.extract_strided_slice %sub3A_21 {offsets = [0, 256], sizes = [1, 512], strides = [1, 1]} : vector<1x1024xf32> to vector<1x512xf32>
    %broadcast_in_dim3A_47 = vector.shape_cast %slice3A_46 : vector<1x512xf32> to vector<1x512xf32>
    %broadcast_in_dim3A_48 = vector.broadcast %broadcast_in_dim3A_47 : vector<1x512xf32> to vector<512x512xf32>
    %broadcast_in_dim3A_49 = vector.shape_cast %slice3A_45 : vector<512x1xf32> to vector<512x1xf32>
    %broadcast_in_dim3A_50 = vector.broadcast %broadcast_in_dim3A_49 : vector<512x1xf32> to vector<512x512xf32>
    %lt3A_51 = arith.cmpf olt, %broadcast_in_dim3A_48, %broadcast_in_dim3A_50 : vector<512x512xf32>
    %convert_element_type3A_52 = arith.extui %lt3A_51 : vector<512x512xi1> to vector<512x512xi32>
    %convert_element_type3A_53 = arith.sitofp %convert_element_type3A_52 : vector<512x512xi32> to vector<512x512xf32>
    %reduce_sum3A_54 = arith.constant dense<0.000000e+00> : vector<512xf32>
    %reduce_sum3A_55 = vector.multi_reduction <add>, %convert_element_type3A_53, %reduce_sum3A_54 [1] : vector<512x512xf32> to vector<512xf32>
    %broadcast_in_dim3A_56 = vector.shape_cast %reduce_sum3A_55 : vector<512xf32> to vector<512x1xf32>
    %convert_element_type3A_57 = arith.fptosi %broadcast_in_dim3A_56 : vector<512x1xf32> to vector<512x1xi32>
    %iota3A_58 = tpu.iota {dimensions = array<i32: 1>} : vector<512x512xi32>
    %broadcast_in_dim3A_59 = vector.shape_cast %convert_element_type3A_57 : vector<512x1xi32> to vector<512x1xi32>
    %broadcast_in_dim3A_60 = vector.broadcast %broadcast_in_dim3A_59 : vector<512x1xi32> to vector<512x512xi32>
    %eq3A_61 = arith.cmpi eq, %broadcast_in_dim3A_60, %iota3A_58 : vector<512x512xi32>
    %convert_element_type3A_62 = arith.extui %eq3A_61 : vector<512x512xi1> to vector<512x512xi32>
    %convert_element_type3A_63 = arith.sitofp %convert_element_type3A_62 : vector<512x512xi32> to vector<512x512xf32>
    %broadcast_in_dim3A_64 = vector.shape_cast %slice3A_45 : vector<512x1xf32> to vector<512x1xf32>
    %broadcast_in_dim3A_65 = vector.broadcast %broadcast_in_dim3A_64 : vector<512x1xf32> to vector<512x512xf32>
    %mul3A_66 = arith.mulf %convert_element_type3A_63, %broadcast_in_dim3A_65 : vector<512x512xf32>
    %reduce_sum3A_67 = arith.constant dense<0.000000e+00> : vector<512xf32>
    %reduce_sum3A_68 = vector.multi_reduction <add>, %mul3A_66, %reduce_sum3A_67 [0] : vector<512x512xf32> to vector<512xf32>
    %broadcast_in_dim3A_69 = vector.shape_cast %reduce_sum3A_68 : vector<512xf32> to vector<1x512xf32>
    %slice3A_70 = vector.extract_strided_slice %broadcast_in_dim3A_16 {offsets = [768, 0], sizes = [256, 1], strides = [1, 1]} : vector<1024x1xf32> to vector<256x1xf32>
    %slice3A_71 = vector.extract_strided_slice %sub3A_21 {offsets = [0, 768], sizes = [1, 256], strides = [1, 1]} : vector<1x1024xf32> to vector<1x256xf32>
    %broadcast_in_dim3A_72 = vector.shape_cast %slice3A_71 : vector<1x256xf32> to vector<1x256xf32>
    %broadcast_in_dim3A_73 = vector.broadcast %broadcast_in_dim3A_72 : vector<1x256xf32> to vector<256x256xf32>
    %broadcast_in_dim3A_74 = vector.shape_cast %slice3A_70 : vector<256x1xf32> to vector<256x1xf32>
    %broadcast_in_dim3A_75 = vector.broadcast %broadcast_in_dim3A_74 : vector<256x1xf32> to vector<256x256xf32>
    %lt3A_76 = arith.cmpf olt, %broadcast_in_dim3A_73, %broadcast_in_dim3A_75 : vector<256x256xf32>
    %convert_element_type3A_77 = arith.extui %lt3A_76 : vector<256x256xi1> to vector<256x256xi32>
    %convert_element_type3A_78 = arith.sitofp %convert_element_type3A_77 : vector<256x256xi32> to vector<256x256xf32>
    %reduce_sum3A_79 = arith.constant dense<0.000000e+00> : vector<256xf32>
    %reduce_sum3A_80 = vector.multi_reduction <add>, %convert_element_type3A_78, %reduce_sum3A_79 [1] : vector<256x256xf32> to vector<256xf32>
    %broadcast_in_dim3A_81 = vector.shape_cast %reduce_sum3A_80 : vector<256xf32> to vector<256x1xf32>
    %convert_element_type3A_82 = arith.fptosi %broadcast_in_dim3A_81 : vector<256x1xf32> to vector<256x1xi32>
    %iota3A_83 = tpu.iota {dimensions = array<i32: 1>} : vector<256x256xi32>
    %broadcast_in_dim3A_84 = vector.shape_cast %convert_element_type3A_82 : vector<256x1xi32> to vector<256x1xi32>
    %broadcast_in_dim3A_85 = vector.broadcast %broadcast_in_dim3A_84 : vector<256x1xi32> to vector<256x256xi32>
    %eq3A_86 = arith.cmpi eq, %broadcast_in_dim3A_85, %iota3A_83 : vector<256x256xi32>
    %convert_element_type3A_87 = arith.extui %eq3A_86 : vector<256x256xi1> to vector<256x256xi32>
    %convert_element_type3A_88 = arith.sitofp %convert_element_type3A_87 : vector<256x256xi32> to vector<256x256xf32>
    %broadcast_in_dim3A_89 = vector.shape_cast %slice3A_70 : vector<256x1xf32> to vector<256x1xf32>
    %broadcast_in_dim3A_90 = vector.broadcast %broadcast_in_dim3A_89 : vector<256x1xf32> to vector<256x256xf32>
    %mul3A_91 = arith.mulf %convert_element_type3A_88, %broadcast_in_dim3A_90 : vector<256x256xf32>
    %reduce_sum3A_92 = arith.constant dense<0.000000e+00> : vector<256xf32>
    %reduce_sum3A_93 = vector.multi_reduction <add>, %mul3A_91, %reduce_sum3A_92 [0] : vector<256x256xf32> to vector<256xf32>
    %broadcast_in_dim3A_94 = vector.shape_cast %reduce_sum3A_93 : vector<256xf32> to vector<1x256xf32>
    %mul3A_95 = arith.constant 1024 : i32
    %mul3A_96 = arith.muli %arg0, %mul3A_95 : i32
    %convert_element_type3A_97 = arith.sitofp %mul3A_96 : i32 to f32
    %add3A = vector.broadcast %convert_element_type3A_97 : f32 to vector<1x256xf32>
    %add3A_98 = arith.addf %broadcast_in_dim3A_44, %add3A : vector<1x256xf32>
    %convert_element_type3A_99 = arith.fptosi %add3A_98 : vector<1x256xf32> to vector<1x256xi32>
    %swap3A = arith.constant 0 : index
    %swap3A_100 = arith.constant 0 : index
    %swap3A_101 = arith.constant 0 : index
    %swap3A_102 = vector.load %arg3[%swap3A, %swap3A_100, %swap3A_101] : memref<1x1x256xi32, #tpu.memory_space<vmem>>, vector<1x1x256xi32>
    %swap3A_103 = vector.shape_cast %swap3A_102 : vector<1x1x256xi32> to vector<1x256xi32>
    %swap3A_104 = vector.shape_cast %convert_element_type3A_99 : vector<1x256xi32> to vector<1x1x256xi32>
    tpu.vector_store %arg3[%swap3A, %swap3A_100, %swap3A_101], %swap3A_104 {strides = array<i32>} : memref<1x1x256xi32, #tpu.memory_space<vmem>>, vector<1x1x256xi32>,
    %add3A_105 = vector.broadcast %convert_element_type3A_97 : f32 to vector<1x512xf32>
    %add3A_106 = arith.addf %broadcast_in_dim3A_69, %add3A_105 : vector<1x512xf32>
    %convert_element_type3A_107 = arith.fptosi %add3A_106 : vector<1x512xf32> to vector<1x512xi32>
    %swap3A_108 = arith.constant 0 : index
    %swap3A_109 = arith.constant 0 : index
    %swap3A_110 = arith.constant 0 : index
    %swap3A_111 = vector.load %arg4[%swap3A_108, %swap3A_109, %swap3A_110] : memref<1x1x512xi32, #tpu.memory_space<vmem>>, vector<1x1x512xi32>
    %swap3A_112 = vector.shape_cast %swap3A_111 : vector<1x1x512xi32> to vector<1x512xi32>
    %swap3A_113 = vector.shape_cast %convert_element_type3A_107 : vector<1x512xi32> to vector<1x1x512xi32>
    tpu.vector_store %arg4[%swap3A_108, %swap3A_109, %swap3A_110], %swap3A_113 {strides = array<i32>} : memref<1x1x512xi32, #tpu.memory_space<vmem>>, vector<1x1x512xi32>,
    %add3A_114 = vector.broadcast %convert_element_type3A_97 : f32 to vector<1x256xf32>
    %add3A_115 = arith.addf %broadcast_in_dim3A_94, %add3A_114 : vector<1x256xf32>
    %convert_element_type3A_116 = arith.fptosi %add3A_115 : vector<1x256xf32> to vector<1x256xi32>
    %swap3A_117 = arith.constant 0 : index
    %swap3A_118 = arith.constant 0 : index
    %swap3A_119 = arith.constant 0 : index
    %swap3A_120 = vector.load %arg5[%swap3A_117, %swap3A_118, %swap3A_119] : memref<1x1x256xi32, #tpu.memory_space<vmem>>, vector<1x1x256xi32>
    %swap3A_121 = vector.shape_cast %swap3A_120 : vector<1x1x256xi32> to vector<1x256xi32>
    %swap3A_122 = vector.shape_cast %convert_element_type3A_116 : vector<1x256xi32> to vector<1x1x256xi32>
    tpu.vector_store %arg5[%swap3A_117, %swap3A_118, %swap3A_119], %swap3A_122 {strides = array<i32>} : memref<1x1x256xi32, #tpu.memory_space<vmem>>, vector<1x1x256xi32>,
    %add3A_123 = arith.constant 1.000000e+00 : f32
    %add3A_124 = vector.broadcast %add3A_123 : f32 to vector<1x256xf32>
    %add3A_125 = arith.addf %broadcast_in_dim3A_44, %add3A_124 : vector<1x256xf32>
    %convert_element_type3A_126 = arith.fptosi %add3A_125 : vector<1x256xf32> to vector<1x256xi32>
    %swap3A_127 = arith.constant 0 : index
    %swap3A_128 = arith.constant 0 : index
    %swap3A_129 = arith.constant 0 : index
    %swap3A_130 = vector.load %arg6[%swap3A_127, %swap3A_128, %swap3A_129] : memref<1x1x256xi32, #tpu.memory_space<vmem>>, vector<1x1x256xi32>
    %swap3A_131 = vector.shape_cast %swap3A_130 : vector<1x1x256xi32> to vector<1x256xi32>
    %swap3A_132 = vector.shape_cast %convert_element_type3A_126 : vector<1x256xi32> to vector<1x1x256xi32>
    tpu.vector_store %arg6[%swap3A_127, %swap3A_128, %swap3A_129], %swap3A_132 {strides = array<i32>} : memref<1x1x256xi32, #tpu.memory_space<vmem>>, vector<1x1x256xi32>,
    %add3A_133 = arith.constant 1.000000e+00 : f32
    %add3A_134 = vector.broadcast %add3A_133 : f32 to vector<1x512xf32>
    %add3A_135 = arith.addf %broadcast_in_dim3A_69, %add3A_134 : vector<1x512xf32>
    %convert_element_type3A_136 = arith.fptosi %add3A_135 : vector<1x512xf32> to vector<1x512xi32>
    %swap3A_137 = arith.constant 0 : index
    %swap3A_138 = arith.constant 0 : index
    %swap3A_139 = arith.constant 0 : index
    %swap3A_140 = vector.load %arg7[%swap3A_137, %swap3A_138, %swap3A_139] : memref<1x1x512xi32, #tpu.memory_space<vmem>>, vector<1x1x512xi32>
    %swap3A_141 = vector.shape_cast %swap3A_140 : vector<1x1x512xi32> to vector<1x512xi32>
    %swap3A_142 = vector.shape_cast %convert_element_type3A_136 : vector<1x512xi32> to vector<1x1x512xi32>
    tpu.vector_store %arg7[%swap3A_137, %swap3A_138, %swap3A_139], %swap3A_142 {strides = array<i32>} : memref<1x1x512xi32, #tpu.memory_space<vmem>>, vector<1x1x512xi32>,
    %add3A_143 = arith.constant 1.000000e+00 : f32
    %add3A_144 = vector.broadcast %add3A_143 : f32 to vector<1x256xf32>
    %add3A_145 = arith.addf %broadcast_in_dim3A_94, %add3A_144 : vector<1x256xf32>
    %convert_element_type3A_146 = arith.fptosi %add3A_145 : vector<1x256xf32> to vector<1x256xi32>
    %swap3A_147 = arith.constant 0 : index
    %swap3A_148 = arith.constant 0 : index
    %swap3A_149 = arith.constant 0 : index
    %swap3A_150 = vector.load %arg8[%swap3A_147, %swap3A_148, %swap3A_149] : memref<1x1x256xi32, #tpu.memory_space<vmem>>, vector<1x1x256xi32>
    %swap3A_151 = vector.shape_cast %swap3A_150 : vector<1x1x256xi32> to vector<1x256xi32>
    %swap3A_152 = vector.shape_cast %convert_element_type3A_146 : vector<1x256xi32> to vector<1x1x256xi32>
    tpu.vector_store %arg8[%swap3A_147, %swap3A_148, %swap3A_149], %swap3A_152 {strides = array<i32>} : memref<1x1x256xi32, #tpu.memory_space<vmem>>, vector<1x1x256xi32>,
    %slice3A_153 = vector.extract_strided_slice %broadcast_in_dim3A_16 {offsets = [0, 0], sizes = [256, 1], strides = [1, 1]} : vector<1024x1xf32> to vector<256x1xf32>
    %slice3A_154 = vector.extract_strided_slice %sub3A_21 {offsets = [0, 0], sizes = [1, 768], strides = [1, 1]} : vector<1x1024xf32> to vector<1x768xf32>
    %broadcast_in_dim3A_155 = vector.shape_cast %slice3A_154 : vector<1x768xf32> to vector<1x768xf32>
    %broadcast_in_dim3A_156 = vector.broadcast %broadcast_in_dim3A_155 : vector<1x768xf32> to vector<256x768xf32>
    %broadcast_in_dim3A_157 = vector.shape_cast %slice3A_153 : vector<256x1xf32> to vector<256x1xf32>
    %broadcast_in_dim3A_158 = vector.broadcast %broadcast_in_dim3A_157 : vector<256x1xf32> to vector<256x768xf32>
    %lt3A_159 = arith.cmpf olt, %broadcast_in_dim3A_156, %broadcast_in_dim3A_158 : vector<256x768xf32>
    %convert_element_type3A_160 = arith.extui %lt3A_159 : vector<256x768xi1> to vector<256x768xi32>
    %convert_element_type3A_161 = arith.sitofp %convert_element_type3A_160 : vector<256x768xi32> to vector<256x768xf32>
    %reduce_sum3A_162 = arith.constant dense<0.000000e+00> : vector<256xf32>
    %reduce_sum3A_163 = vector.multi_reduction <add>, %convert_element_type3A_161, %reduce_sum3A_162 [1] : vector<256x768xf32> to vector<256xf32>
    %broadcast_in_dim3A_164 = vector.shape_cast %reduce_sum3A_163 : vector<256xf32> to vector<256x1xf32>
    %convert_element_type3A_165 = arith.fptosi %broadcast_in_dim3A_164 : vector<256x1xf32> to vector<256x1xi32>
    %iota3A_166 = tpu.iota {dimensions = array<i32: 1>} : vector<256x768xi32>
    %broadcast_in_dim3A_167 = vector.shape_cast %convert_element_type3A_165 : vector<256x1xi32> to vector<256x1xi32>
    %broadcast_in_dim3A_168 = vector.broadcast %broadcast_in_dim3A_167 : vector<256x1xi32> to vector<256x768xi32>
    %eq3A_169 = arith.cmpi eq, %broadcast_in_dim3A_168, %iota3A_166 : vector<256x768xi32>
    %convert_element_type3A_170 = arith.extui %eq3A_169 : vector<256x768xi1> to vector<256x768xi32>
    %convert_element_type3A_171 = arith.sitofp %convert_element_type3A_170 : vector<256x768xi32> to vector<256x768xf32>
    %reduce_sum3A_172 = arith.constant dense<0.000000e+00> : vector<768xf32>
    %reduce_sum3A_173 = vector.multi_reduction <add>, %convert_element_type3A_171, %reduce_sum3A_172 [0] : vector<256x768xf32> to vector<768xf32>
    %broadcast_in_dim3A_174 = vector.shape_cast %reduce_sum3A_173 : vector<768xf32> to vector<1x768xf32>
    %gt3A = arith.constant 5.000000e-01 : f32
    %gt3A_175 = vector.broadcast %gt3A : f32 to vector<1x768xf32>
    %gt3A_176 = arith.cmpf ogt, %broadcast_in_dim3A_174, %gt3A_175 : vector<1x768xf32>
    %convert_element_type3A_177 = arith.extui %gt3A_176 : vector<1x768xi1> to vector<1x768xi32>
    %swap3A_178 = arith.constant 0 : index
    %swap3A_179 = arith.constant 0 : index
    %swap3A_180 = arith.constant 0 : index
    %swap3A_181 = vector.load %arg9[%swap3A_178, %swap3A_179, %swap3A_180] : memref<1x1x768xi32, #tpu.memory_space<vmem>>, vector<1x1x768xi32>
    %swap3A_182 = vector.shape_cast %swap3A_181 : vector<1x1x768xi32> to vector<1x768xi32>
    %swap3A_183 = vector.shape_cast %convert_element_type3A_177 : vector<1x768xi32> to vector<1x1x768xi32>
    tpu.vector_store %arg9[%swap3A_178, %swap3A_179, %swap3A_180], %swap3A_183 {strides = array<i32>} : memref<1x1x768xi32, #tpu.memory_space<vmem>>, vector<1x1x768xi32>,
    return
  }
  func.func @transform_0(%arg0: i32) -> (i32, i32, i32) {
    %c0_i32 = arith.constant 0 : i32
    %c0_i32_0 = arith.constant 0 : i32
    %c0_i32_1 = arith.constant 0 : i32
    return %arg0, %c0_i32, %c0_i32_0 : i32, i32, i32
  }
  func.func @transform_1(%arg0: i32) -> (i32, i32, i32) {
    %c0_i32 = arith.constant 0 : i32
    %c0_i32_0 = arith.constant 0 : i32
    %c0_i32_1 = arith.constant 0 : i32
    return %arg0, %c0_i32, %c0_i32_0 : i32, i32, i32
  }
  func.func @transform_2(%arg0: i32) -> (i32, i32, i32) {
    %c0_i32 = arith.constant 0 : i32
    %c0_i32_0 = arith.constant 0 : i32
    %c0_i32_1 = arith.constant 0 : i32
    return %arg0, %c0_i32, %c0_i32_0 : i32, i32, i32
  }
  func.func @transform_3(%arg0: i32) -> (i32, i32, i32) {
    %c0_i32 = arith.constant 0 : i32
    %c0_i32_0 = arith.constant 0 : i32
    %c0_i32_1 = arith.constant 0 : i32
    return %arg0, %c0_i32, %c0_i32_0 : i32, i32, i32
  }
  func.func @transform_4(%arg0: i32) -> (i32, i32, i32) {
    %c0_i32 = arith.constant 0 : i32
    %c0_i32_0 = arith.constant 0 : i32
    %c0_i32_1 = arith.constant 0 : i32
    return %arg0, %c0_i32, %c0_i32_0 : i32, i32, i32
  }
  func.func @transform_5(%arg0: i32) -> (i32, i32, i32) {
    %c0_i32 = arith.constant 0 : i32
    %c0_i32_0 = arith.constant 0 : i32
    %c0_i32_1 = arith.constant 0 : i32
    return %arg0, %c0_i32, %c0_i32_0 : i32, i32, i32
  }
  func.func @transform_6(%arg0: i32) -> (i32, i32, i32) {
    %c0_i32 = arith.constant 0 : i32
    %c0_i32_0 = arith.constant 0 : i32
    %c0_i32_1 = arith.constant 0 : i32
    return %arg0, %c0_i32, %c0_i32_0 : i32, i32, i32
  }
  func.func @transform_7(%arg0: i32) -> (i32, i32, i32) {
    %c0_i32 = arith.constant 0 : i32
    %c0_i32_0 = arith.constant 0 : i32
    %c0_i32_1 = arith.constant 0 : i32
    return %arg0, %c0_i32, %c0_i32_0 : i32, i32, i32
  }
  func.func @transform_8(%arg0: i32) -> (i32, i32, i32) {
    %c0_i32 = arith.constant 0 : i32
    %c0_i32_0 = arith.constant 0 : i32
    %c0_i32_1 = arith.constant 0 : i32
    return %arg0, %c0_i32, %c0_i32_0 : i32, i32, i32
  }
}

module attributes {stable_mosaic.version = 14 : i64} {
  func.func @_embed_kernel(%arg0: i32, %arg1: memref<1x256x768xf32, #tpu.memory_space<vmem>>, %arg2: memref<1x256x768xf32, #tpu.memory_space<vmem>>, %arg3: memref<1x256x384xf32, #tpu.memory_space<vmem>>, %arg4: memref<1x256x384xf32, #tpu.memory_space<vmem>>, %arg5: memref<768x384xf32, #tpu.memory_space<vmem>>, %arg6: memref<1x384xf32, #tpu.memory_space<vmem>>, %arg7: memref<1x384xf32, #tpu.memory_space<vmem>>, %arg8: memref<1x384xf32, #tpu.memory_space<vmem>>, %arg9: memref<1x257x384xf32, #tpu.memory_space<vmem>>, %arg10: memref<1x257x384xf32, #tpu.memory_space<vmem>>) attributes {dimension_semantics = [#tpu.dimension_semantics<arbitrary>], iteration_bounds = array<i64: 32>, scalar_prefetch = 0 : i64, scratch_operands = 0 : i64, tpu.core_type = #tpu.core_type<tc>, window_params = [{transform_indices = @transform_0, window_bounds = array<i64: 1, 256, 768>}, {transform_indices = @transform_1, window_bounds = array<i64: 1, 256, 768>}, {transform_indices = @transform_2, window_bounds = array<i64: 1, 256, 384>}, {transform_indices = @transform_3, window_bounds = array<i64: 1, 256, 384>}, {pipeline_mode = #tpu.pipeline_mode<synchronous>, transform_indices = @transform_4, window_bounds = array<i64: 768, 384>}, {pipeline_mode = #tpu.pipeline_mode<synchronous>, transform_indices = @transform_5, window_bounds = array<i64: 1, 384>}, {pipeline_mode = #tpu.pipeline_mode<synchronous>, transform_indices = @transform_6, window_bounds = array<i64: 1, 384>}, {pipeline_mode = #tpu.pipeline_mode<synchronous>, transform_indices = @transform_7, window_bounds = array<i64: 1, 384>}, {transform_indices = @transform_8, window_bounds = array<i64: 1, 257, 384>}, {transform_indices = @transform_9, window_bounds = array<i64: 1, 257, 384>}]} {
    %get3A = arith.constant 0 : index
    %get3A_0 = arith.constant 0 : index
    %get3A_1 = vector.load %arg5[%get3A, %get3A_0] : memref<768x384xf32, #tpu.memory_space<vmem>>, vector<768x384xf32>
    %get3A_2 = arith.constant 0 : index
    %get3A_3 = arith.constant 0 : index
    %get3A_4 = vector.load %arg6[%get3A_2, %get3A_3] : memref<1x384xf32, #tpu.memory_space<vmem>>, vector<1x384xf32>
    %get3A_5 = arith.constant 0 : index
    %get3A_6 = arith.constant 0 : index
    %get3A_7 = arith.constant 0 : index
    %get3A_8 = vector.load %arg1[%get3A_5, %get3A_6, %get3A_7] : memref<1x256x768xf32, #tpu.memory_space<vmem>>, vector<1x256x768xf32>
    %get3A_9 = vector.shape_cast %get3A_8 : vector<1x256x768xf32> to vector<256x768xf32>
    %dot_general3A = arith.constant dense<0.000000e+00> : vector<256x384xf32>
    %dot_general3A_10 = tpu.matmul %get3A_9, %get3A_1, %dot_general3A {dimension_numbers = #tpu.dot_dimension_numbers<[1], [0], [0], [1], [0, 0, 1, 1], [], []>, precision = #tpu.contract_precision<fp32>, transpose_lhs_hint = false} : vector<256x768xf32>, vector<768x384xf32>, vector<256x384xf32> -> vector<256x384xf32>
    %get3A_11 = arith.constant 0 : index
    %get3A_12 = arith.constant 0 : index
    %get3A_13 = vector.load %arg7[%get3A_11, %get3A_12] : memref<1x384xf32, #tpu.memory_space<vmem>>, vector<1x384xf32>
    %add3A = vector.broadcast %get3A_4 : vector<1x384xf32> to vector<256x384xf32>
    %add3A_14 = arith.addf %dot_general3A_10, %add3A : vector<256x384xf32>
    %get3A_15 = arith.constant 0 : index
    %get3A_16 = arith.constant 0 : index
    %get3A_17 = arith.constant 0 : index
    %get3A_18 = vector.load %arg3[%get3A_15, %get3A_16, %get3A_17] : memref<1x256x384xf32, #tpu.memory_space<vmem>>, vector<1x256x384xf32>
    %get3A_19 = vector.shape_cast %get3A_18 : vector<1x256x384xf32> to vector<256x384xf32>
    %add3A_20 = arith.addf %add3A_14, %get3A_19 : vector<256x384xf32>
    %concatenate3A = tpu.concatenate %get3A_13, %add3A_20 in 0 : vector<1x384xf32>, vector<256x384xf32> -> vector<257x384xf32>
    %swap3A = arith.constant 0 : index
    %swap3A_21 = arith.constant 0 : index
    %swap3A_22 = arith.constant 0 : index
    %swap3A_23 = vector.load %arg9[%swap3A, %swap3A_21, %swap3A_22] : memref<1x257x384xf32, #tpu.memory_space<vmem>>, vector<1x257x384xf32>
    %swap3A_24 = vector.shape_cast %swap3A_23 : vector<1x257x384xf32> to vector<257x384xf32>
    %swap3A_25 = vector.shape_cast %concatenate3A : vector<257x384xf32> to vector<1x257x384xf32>
    tpu.vector_store %arg9[%swap3A, %swap3A_21, %swap3A_22], %swap3A_25 {strides = array<i32>} : memref<1x257x384xf32, #tpu.memory_space<vmem>>, vector<1x257x384xf32>,
    %get3A_26 = arith.constant 0 : index
    %get3A_27 = arith.constant 0 : index
    %get3A_28 = arith.constant 0 : index
    %get3A_29 = vector.load %arg2[%get3A_26, %get3A_27, %get3A_28] : memref<1x256x768xf32, #tpu.memory_space<vmem>>, vector<1x256x768xf32>
    %get3A_30 = vector.shape_cast %get3A_29 : vector<1x256x768xf32> to vector<256x768xf32>
    %dot_general3A_31 = arith.constant dense<0.000000e+00> : vector<256x384xf32>
    %dot_general3A_32 = tpu.matmul %get3A_30, %get3A_1, %dot_general3A_31 {dimension_numbers = #tpu.dot_dimension_numbers<[1], [0], [0], [1], [0, 0, 1, 1], [], []>, precision = #tpu.contract_precision<fp32>, transpose_lhs_hint = false} : vector<256x768xf32>, vector<768x384xf32>, vector<256x384xf32> -> vector<256x384xf32>
    %get3A_33 = arith.constant 0 : index
    %get3A_34 = arith.constant 0 : index
    %get3A_35 = vector.load %arg8[%get3A_33, %get3A_34] : memref<1x384xf32, #tpu.memory_space<vmem>>, vector<1x384xf32>
    %add3A_36 = vector.broadcast %get3A_4 : vector<1x384xf32> to vector<256x384xf32>
    %add3A_37 = arith.addf %dot_general3A_32, %add3A_36 : vector<256x384xf32>
    %get3A_38 = arith.constant 0 : index
    %get3A_39 = arith.constant 0 : index
    %get3A_40 = arith.constant 0 : index
    %get3A_41 = vector.load %arg4[%get3A_38, %get3A_39, %get3A_40] : memref<1x256x384xf32, #tpu.memory_space<vmem>>, vector<1x256x384xf32>
    %get3A_42 = vector.shape_cast %get3A_41 : vector<1x256x384xf32> to vector<256x384xf32>
    %add3A_43 = arith.addf %add3A_37, %get3A_42 : vector<256x384xf32>
    %concatenate3A_44 = tpu.concatenate %get3A_35, %add3A_43 in 0 : vector<1x384xf32>, vector<256x384xf32> -> vector<257x384xf32>
    %swap3A_45 = arith.constant 0 : index
    %swap3A_46 = arith.constant 0 : index
    %swap3A_47 = arith.constant 0 : index
    %swap3A_48 = vector.load %arg10[%swap3A_45, %swap3A_46, %swap3A_47] : memref<1x257x384xf32, #tpu.memory_space<vmem>>, vector<1x257x384xf32>
    %swap3A_49 = vector.shape_cast %swap3A_48 : vector<1x257x384xf32> to vector<257x384xf32>
    %swap3A_50 = vector.shape_cast %concatenate3A_44 : vector<257x384xf32> to vector<1x257x384xf32>
    tpu.vector_store %arg10[%swap3A_45, %swap3A_46, %swap3A_47], %swap3A_50 {strides = array<i32>} : memref<1x257x384xf32, #tpu.memory_space<vmem>>, vector<1x257x384xf32>,
    return
  }
  func.func @transform_0(%arg0: i32) -> (i32, i32, i32) {
    %c0_i32 = arith.constant 0 : i32
    %c0_i32_0 = arith.constant 0 : i32
    %c0_i32_1 = arith.constant 0 : i32
    return %arg0, %c0_i32, %c0_i32_0 : i32, i32, i32
  }
  func.func @transform_1(%arg0: i32) -> (i32, i32, i32) {
    %c0_i32 = arith.constant 0 : i32
    %c0_i32_0 = arith.constant 0 : i32
    %c0_i32_1 = arith.constant 0 : i32
    return %arg0, %c0_i32, %c0_i32_0 : i32, i32, i32
  }
  func.func @transform_2(%arg0: i32) -> (i32, i32, i32) {
    %c0_i32 = arith.constant 0 : i32
    %c0_i32_0 = arith.constant 0 : i32
    %c0_i32_1 = arith.constant 0 : i32
    return %arg0, %c0_i32, %c0_i32_0 : i32, i32, i32
  }
  func.func @transform_3(%arg0: i32) -> (i32, i32, i32) {
    %c0_i32 = arith.constant 0 : i32
    %c0_i32_0 = arith.constant 0 : i32
    %c0_i32_1 = arith.constant 0 : i32
    return %arg0, %c0_i32, %c0_i32_0 : i32, i32, i32
  }
  func.func @transform_4(%arg0: i32) -> (i32, i32) {
    %c0_i32 = arith.constant 0 : i32
    %c0_i32_0 = arith.constant 0 : i32
    %c0_i32_1 = arith.constant 0 : i32
    return %c0_i32, %c0_i32_0 : i32, i32
  }
  func.func @transform_5(%arg0: i32) -> (i32, i32) {
    %c0_i32 = arith.constant 0 : i32
    %c0_i32_0 = arith.constant 0 : i32
    %c0_i32_1 = arith.constant 0 : i32
    return %c0_i32, %c0_i32_0 : i32, i32
  }
  func.func @transform_6(%arg0: i32) -> (i32, i32) {
    %c0_i32 = arith.constant 0 : i32
    %c0_i32_0 = arith.constant 0 : i32
    %c0_i32_1 = arith.constant 0 : i32
    return %c0_i32, %c0_i32_0 : i32, i32
  }
  func.func @transform_7(%arg0: i32) -> (i32, i32) {
    %c0_i32 = arith.constant 0 : i32
    %c0_i32_0 = arith.constant 0 : i32
    %c0_i32_1 = arith.constant 0 : i32
    return %c0_i32, %c0_i32_0 : i32, i32
  }
  func.func @transform_8(%arg0: i32) -> (i32, i32, i32) {
    %c0_i32 = arith.constant 0 : i32
    %c0_i32_0 = arith.constant 0 : i32
    %c0_i32_1 = arith.constant 0 : i32
    return %arg0, %c0_i32, %c0_i32_0 : i32, i32, i32
  }
  func.func @transform_9(%arg0: i32) -> (i32, i32, i32) {
    %c0_i32 = arith.constant 0 : i32
    %c0_i32_0 = arith.constant 0 : i32
    %c0_i32_1 = arith.constant 0 : i32
    return %arg0, %c0_i32, %c0_i32_0 : i32, i32, i32
  }
}

</mosaic_0001>

<sc_bundles>
// kernel: kernel.5.cloned.1.call-start
scs
__scs_entry_jumppad:
0x0: {  	(pc) =	sbr.rel $0x88, $3  }
0x1: {  	(tag) =	ssettag $0x0;
	lr =	simm.s32 $0x1  }
0x2: {  	[smem:$0x3F97] =	sst lr;
	_ =	strace $0xD0000000  }
0x3: {  	_ = 	snop  }
0x4: {  	_ = 	snop  }
0x5: {  	_ = 	snop  }
0x6: {  	_ = 	snop  }
0x7: {  	_ = 	snop  }
__scs_overlays_trampoline_lowered:
0x8: {  	[smem:$0x3FA6] =	sst s0  }
0x9: {  	[smem:$0x3FA7] =	sst s1  }
0xa: {  	[smem:$0x3FA8] =	sst s2  }
0xb: {  	[smem:$0x3FA9] =	sst s3  }
0xc: {  	[smem:$0x3FAA] =	sst s4  }
0xd: {  	[smem:$0x3FAB] =	sst s5  }
0xe: {  	[smem:$0x3FAC] =	sst s6  }
0xf: {  	[smem:$0x3FAD] =	sst s7  }
0x10: {  	[smem:$0x3FAE] =	sst s8  }
0x11: {  	[smem:$0x3FAF] =	sst s9;
	s0 =	simm.s32 @!p0 $0x0  }
0x12: {  	s1 =	sld [smem:$0x3F95];
	s0 =	simm.s32 @p0 $0x1  }
0x13: {  	[smem:$0x3FB0] =	sst s0;
	s0 =	simm.s32 @!p1 $0x0  }
0x14: {  	s2 =	sld [smem:$0x3F94];
	s0 =	simm.s32 @p1 $0x1  }
0x15: {  	[smem:$0x3FB1] =	sst s0;
	s0 =	simm.s32 @!p2 $0x0  }
0x16: {  	s3 =	sld [smem:$0x3FDB];
	s0 =	simm.s32 @p2 $0x1  }
0x17: {  	s4 =	simm.s32 $0x1BF5;
	[smem:$0x3FB3] =	sst s0  }
0x18: {  	s0 =	sld [smem:$0x3F96];
	_ =	swait.ge [sflag:s4], $0x0  }
0x19: {  	s7 =	sld [smem:$0x3F97]  }
0x1a: {  	s8 =	sadd.s32 $0xFFFFE003, lr  }
0x1b: {  	s9 =	sadd.s32 $0xFFFFFEF7, lr;
	s5 =	simm.s32 $0xFFFFFFFF;
	p2 =	slt.u32 s8, $0xFFFFF086  }
0x1c: {  	p1 =	slt.u32 s9, $0xF7A;
	s5 =	simm.s32 @!p2 $0x0  }
0x1d: {  	s5 =	simm.s32 @p1 $0x1;
	p0 =	seq.s32 s7, s2  }
0x1e: {  	s7 =	smul.u32 @!p0 $0xF7A, s2;
	p2 =	seq.s32 @!p0 s5, $0x0  }
0x1f: {  	s9 =	smul.u32 $0xF7A, s1;
	s8 =	simm.s32 @!p0 $0x1BF5;
	p2 =	por !p2, p0  }
0x20: {  	[sflag:s8] =	ssyncset.s32 @!p0 $0xFFFFF086;
	s6 =	sadd.s32 @!p0 s3, s7;
	s7 =	simm.s32 @!p0 $0x108  }
0x21: {  	s3 =	sadd.s32 s3, s9;
	s6 =	sadd.s32 @!p0 $0x88, s6;
	s7 =	simm.s32 @p2 $0x1082  }
0x22: {  	[simem:s7], [sflag:s8] =	dma.local @!p0 [hbm:s6], $0xF7A  }
0x23: {  	s9 =	sor.u32 $0xD0000000, s2;
	s6 =	simm.s32 $0x108;
	_ =	swait.ge @!p0 [sflag:s8], $0x0  }
0x24: {  	s3 =	sadd.s32 $0x88, s3;
	s6 =	simm.s32 @!p1 $0x1082;
	[sflag:s4] =	ssyncset.s32 $0xFFFFF086  }
0x25: {  	[simem:s6], [sflag:s4] =	dma.local [hbm:s3], $0xF7A  }
0x26: {  	[smem:$0x3F97] =	sst s1;
	(tag) =	ssettag s2;
	_ =	strace s9  }
0x27: {  	s1 =	sld [smem:$0x3FA7]  }
0x28: {  	s2 =	sld [smem:$0x3FA8]  }
0x29: {  	s4 =	sld [smem:$0x3FAA]  }
0x2a: {  	p0 =	seq.s32 s5, $0x0;
	s5 =	sld [smem:$0x3FAB]  }
0x2b: {  	s6 =	sld [smem:$0x3FAC]  }
0x2c: {  	s7 =	sld [smem:$0x3FAD]  }
0x2d: {  	s3 =	simm.s32 $0x108;
	s8 =	sld [smem:$0x3FAE]  }
0x2e: {  	s3 =	simm.s32 @!p0 $0x1082;
	s9 =	sld [smem:$0x3FAF]  }
0x2f: {  	lr =	sadd.s32 s0, s3;
	s0 =	sld [smem:$0x3FA6]  }
0x30: {  	s3 =	sld [smem:$0x3FA9]  }
0x31: {  	[smem:$0x3FB2] =	sst s10  }
0x32: {  	s10 =	sld [smem:$0x3FB0];
	_ =	sdelay $0x3  }
0x33: {  	p0 =	seq.s32 s10, $0x1;
	s10 =	sld [smem:$0x3FB2];
	_ =	sdelay $0x3  }
0x34: {  	[smem:$0x3FB2] =	sst s10  }
0x35: {  	s10 =	sld [smem:$0x3FB1];
	_ =	sdelay $0x3  }
0x36: {  	p1 =	seq.s32 s10, $0x1;
	s10 =	sld [smem:$0x3FB2];
	_ =	sdelay $0x3  }
0x37: {  	[smem:$0x3FB2] =	sst s10  }
0x38: {  	s10 =	sld [smem:$0x3FB3]  }
0x39: {  	_ = 	snop;
	(pc) =	sbr.ind lr, $3  }
0x3a: {  	_ = 	snop  }
0x3b: {  	_ = 	snop  }
0x3c: {  	p2 =	seq.s32 s10, $0x1;
	s10 =	sld [smem:$0x3FB2]  }
0x3d: {  	_ =	shalt  }
0x3e: {  	_ =	shalt  }
0x3f: {  	_ =	shalt  }
0x40: {  	_ =	shalt  }
0x41: {  	_ =	shalt  }
0x42: {  	_ =	shalt  }
0x43: {  	_ =	shalt  }
0x44: {  	_ =	shalt  }
0x45: {  	_ =	shalt  }
0x46: {  	_ =	shalt  }
0x47: {  	_ =	shalt  }
0x48: {  	_ =	shalt  }
0x49: {  	_ =	shalt  }
0x4a: {  	_ =	shalt  }
0x4b: {  	_ =	shalt  }
0x4c: {  	_ =	shalt  }
0x4d: {  	_ =	shalt  }
0x4e: {  	_ =	shalt  }
0x4f: {  	_ =	shalt  }
0x50: {  	_ =	shalt  }
0x51: {  	_ =	shalt  }
0x52: {  	_ =	shalt  }
0x53: {  	_ =	shalt  }
0x54: {  	_ =	shalt  }
0x55: {  	_ =	shalt  }
0x56: {  	_ =	shalt  }
0x57: {  	_ =	shalt  }
0x58: {  	_ =	shalt  }
0x59: {  	_ =	shalt  }
0x5a: {  	_ =	shalt  }
0x5b: {  	_ =	shalt  }
0x5c: {  	_ =	shalt  }
0x5d: {  	_ =	shalt  }
0x5e: {  	_ =	shalt  }
0x5f: {  	_ =	shalt  }
0x60: {  	_ =	shalt  }
0x61: {  	_ =	shalt  }
0x62: {  	_ =	shalt  }
0x63: {  	_ =	shalt  }
0x64: {  	_ =	shalt  }
0x65: {  	_ =	shalt  }
0x66: {  	_ =	shalt  }
0x67: {  	_ =	shalt  }
0x68: {  	_ =	shalt  }
0x69: {  	_ =	shalt  }
0x6a: {  	_ =	shalt  }
0x6b: {  	_ =	shalt  }
0x6c: {  	_ =	shalt  }
0x6d: {  	_ =	shalt  }
0x6e: {  	_ =	shalt  }
0x6f: {  	_ =	shalt  }
0x70: {  	_ =	shalt  }
0x71: {  	_ =	shalt  }
0x72: {  	_ =	shalt  }
0x73: {  	_ =	shalt  }
0x74: {  	_ =	shalt  }
0x75: {  	_ =	shalt  }
0x76: {  	_ =	shalt  }
0x77: {  	_ =	shalt  }
0x78: {  	_ =	shalt  }
0x79: {  	_ =	shalt  }
0x7a: {  	_ =	shalt  }
0x7b: {  	_ =	shalt  }
0x7c: {  	_ =	shalt  }
0x7d: {  	_ =	shalt  }
0x7e: {  	_ =	shalt  }
0x7f: {  	_ =	shalt  }
0x80: {  	_ =	shalt  }
0x81: {  	_ =	shalt  }
0x82: {  	_ =	shalt  }
0x83: {  	_ =	shalt  }
0x84: {  	_ =	shalt  }
0x85: {  	_ =	shalt  }
0x86: {  	_ =	shalt  }
0x87: {  	_ =	shalt  }
.Lfunc_end0:
.L_simem_size_0:
called_computation.2_lowered:
.L_overlay_start_0:
0x88: {  	s2 =	sld [smem:$0x3FD9]  }
0x89: {  	s3 =	sld [smem:$0x3FFE];
	_ =	sdelay $0x1  }
0x8a: {  	s1 =	srdreg.scid  }
0x8b: {  	s0 =	sand.u32 $0x1, s1  }
0x8c: {  	s14 =	sshll.u32 s0, $0xA;
	s2 =	sadd.s32 s3, s2  }
0x8d: {  	s2 =	sadd.s32 s2, s14  }
0x8e: {  	[smem:$0x3FBE] =	sst s2  }
0x8f: {  	_ = 	snop  }
0x90: {  	s2 =	sld [smem:$0x3FD0];
	_ =	sdelay $0x2  }
0x91: {  	s15 =	simm.s32 $0xB;
	s4 =	simm.s32 $0x10  }
0x92: {  	[smem:s4], [sflag:s15] =	dma.local [hbm:s2], $0x1  }
0x93: {  	_ =	swait.eq [sflag:s15], $0x1  }
0x94: {  	s16 =	sld [smem:$0x10]  }
0x95: {  	s17 =	sld [smem:$0x11];
	[sflag:s15] =	ssyncset.done $0x0  }
0x96: {  	s5 =	sld [smem:$0x12];
	[sflag:s15] =	ssyncadd.s32 $0xFFFFFFFF  }
0x97: {  	s18 =	sld [smem:$0x13];
	(tm) =	ssettm $0x1  }
0x98: {  	s6 =	sld [smem:$0x3FFB];
	_ =	sdelay $0x3  }
0x99: {  	_ =	strace s6  }
0x9a: {  	s6 =	sld [smem:$0x3FFC];
	_ =	sdelay $0x3  }
0x9b: {  	_ =	strace s6  }
0x9c: {  	s6 =	sld [smem:$0x3FFD];
	_ =	sdelay $0x3  }
0x9d: {  	_ =	strace s6  }
0x9e: {  	_ =	strace $0x8FFFFFFF  }
0x9f: {  	s19 =	sld [smem:$0x3FDB];
	_ =	sdelay $0x1  }
0xa0: {  	s7 =	simm.s32 $_scs_section_size  }
0xa1: {  	s8 =	simm.s32 $_size__tile_overlayer_lowered;
	s9 =	simm.s32 $_tile_overlayer_lowered  }
0xa2: {  	s22 =	simm.s32 $0x1BFF;
	s21 =	sshll.u32 s9, $0x1;
	s6 =	sadd.s32 s7, s19  }
0xa3: {  	s10 =	simm.s32 $0x0;
	s20 =	sshll.u32 s8, $0x1;
	s8 =	sadd.s32 s21, s6  }
0xa4: {  	[timem:s10], [sflag:s22] =	dma.local [hbm:s8], s20  }
0xa5: {  	_ =	swait.ge [sflag:s22], s20  }
0xa6: {  	s7 =	ssub.s32 $0x0, s20;
	[sflag:s22] =	ssyncset.done $0x0  }
0xa7: {  	[sflag:s22] =	ssyncadd.s32 s7;
	_ =	sdelay $0x1  }
0xa8: {  	s23 =	simm.s32 $0x1B8B  }
0xa9: {  	_ =	swait.ge [sflag:s23], $0x1  }
0xaa: {  	[sflag:s23] =	ssyncset.done $0x0  }
0xab: {  	s25 =	simm.s32 $0x1B8E;
	s24 =	sld [smem:$0x3FFE];
	[sflag:s23] =	ssyncadd.s32 $0xFFFFFFFF  }
0xac: {  	s26 =	simm.s32 $execute0_lowered;
	[smem:$0x3FD2] =	sst s25  }
0xad: {  	s8 =	sshll.u32 s26, $0x1;
	_ =	strace $0x8000004C;
	[dreg:$0x1] =	wrdreg $0xFFFFFFFF  }
0xae: {  	s28 =	simm.s32 $_size_execute0_lowered;
	s6 =	sadd.s32 s6, s8;
	[dreg:$0x0] =	wrdreg $0x0  }
0xaf: {  	s8 =	sshll.u32 s28, $0x1;
	[dreg:$0x2] =	wrdreg s6  }
0xb0: {  	[dreg:$0x3] =	wrdreg s8  }
0xb1: {  	[dreg:$0x4] =	wrdreg $0xC0  }
0xb2: {  	_ =	task [dreg:s10], $0x5FFFF  }
0xb3: {  	[dreg:$0x1] =	wrdreg $0xFFFFFFFF  }
0xb4: {  	[dreg:$0x0] =	wrdreg $0x60  }
0xb5: {  	[dreg:$0x2] =	wrdreg s24  }
0xb6: {  	[dreg:$0x3] =	wrdreg s18  }
0xb7: {  	[dreg:$0x4] =	wrdreg s5  }
0xb8: {  	[dreg:$0x5] =	wrdreg s17  }
0xb9: {  	[dreg:$0x6] =	wrdreg s16  }
0xba: {  	[dreg:$0x7] =	wrdreg $0x9  }
0xbb: {  	_ =	task.clear_ibuf [dreg:s10], $0x8FFFF;
	_ =	strace $0x9000004C  }
0xbc: {  	s29 =	simm.s32 $0x9;
	_ =	strace $0x8000004E  }
0xbd: {  	_ =	swait.ge [sflag:s29], $0x1  }
0xbe: {  	[sflag:s29] =	ssyncadd.s32 $0xFFFFFFFF  }
0xbf: {  	_ =	strace $0x9000004E  }
0xc0: {  	_ =	sfence  }
0xc1: {  	s30 =	sld [smem:$0x0];
	_ =	sdelay $0x2  }
0xc2: {  	s31 =	sshll.u32 s1, $0xD;
	s1 =	sshrl.u32 s1, $0x2  }
0xc3: {  	s3 =	sand.u32 $0x4000, s31;
	s1 =	sadd.s32 s1, s30  }
0xc4: {  	s0 =	sor.u32 s3, s0;
	s1 =	sshll.u32 s1, $0x11  }
0xc5: {  	s0 =	sor.u32 s1, s0  }
0xc6: {  	s0 =	sadd.s32 $0x8F2B, s0  }
0xc7: {  	[sflag:s0] =	ssyncadd.remote.s32 $0x1  }
0xc8: {  	_ =	sfence.sel $0xFFFF  }
0xc9: {  	[dreg:$0x0] =	wrdreg $0xFFFFFFFF;
	(pc) =	sbr.abs _section_cstart, $3  }
0xca: {  	[dreg:$0x1] =	wrdreg $0xFFFFFFFF  }
0xcb: {  	_ =	task.clear_ibuf [dreg:s10], $0x2FFFF;
	_ =	strace $0x9FFFFFFF  }
0xcc: {  	(tm) =	ssettm $0x7FFFFFFF  }
0xcd: {  	_ =	shalt  }
tec
execute0_lowered:
.L_overlay_start_1:
0x0: {  	(tag) =	ssettag $0x1  }
0x1: {  	s0 =	rddreg [dreg:$0x0]  }
0x2: {  	s3 =	rddreg [dreg:$0x1]  }
0x3: {  	s8 =	rddreg [dreg:$0x2]  }
0x4: {  	s10 =	rddreg [dreg:$0x3]  }
0x5: {  	s11 =	rddreg [dreg:$0x4];
	s1 =	simm.s32 $0x0;
	s7 =	srdreg.scid  }
0x6: {  	s31 =	simm.s32 $0x1100;
	s28 =	simm.s32 $0x3900;
	[smem:$0x7FF] =	sst s1  }
0x7: {  	s14 =	stileid.u32;
	s2 =	sadd.s32 $0x303800, s0;
	s4 =	sadd.s32 $0x603800, s0  }
0x8: {  	s29 =	simm.s32 $0x3;
	s5 =	sadd.s32 $0x3012600, s0;
	s6 =	sadd.s32 $0x3006400, s0  }
0x9: {  	s12 =	sand.u32 $0x1, s7;
	s7 =	sadd.s32 $0x301E800, s0;
	s9 =	sshll.u32 s14, $0xA  }
0xa: {  	s30 =	simm.s32 $0x100;
	s15 =	sadd.s32 $0x3004800, s0;
	s24 =	sadd.s32 $0x3004C00, s0  }
0xb: {  	s20 =	sshll.u32 s14, $0x9;
	s23 =	sadd.s32 $0x3800, s0;
	s14 =	sadd.s32 $0x303A00, s0  }
0xc: {  	_ =	strace $0x8000004D;
	s13 =	sshll.u32 s12, $0x9;
	[dreg:$0x8] =	wrdreg s15  }
0xd: {  	s21 =	sshll.u32 s12, $0x8;
	[dreg:$0xa] =	wrdreg s23;
	s12 =	ssub.s32 $0x2, s12  }
0xe: {  	s23 =	simm.s32 $0x80;
	s9 =	sor.u32 s13, s9;
	s25 =	sor.u32 s21, s20  }
0xf: {  	s26 =	sshrl.u32 s12, $0x1;
	s13 =	sadd.s32 $0x303900, s0;
	[dreg:$0x7] =	wrdreg s23  }
0x10: {  	s23 =	sadd.s32 $0x301E900, s0;
	s22 =	sshrl.u32 s9, $0x3;
	s18 =	sshrl.u32 s25, $0x3  }
0x11: {  	s9 =	sadd.s32 $0xC3800, s0;
	s12 =	ssub.s32 s12, s26;
	s16 =	smul.u32 $0x300, s22  }
0x12: {  	[dreg:$0x14] =	wrdreg s25;
	s17 =	sadd.s32 s22, s0;
	s15 =	smul.u32 $0x180, s22  }
0x13: {  	s19 =	smul.u32 $0x180, s18;
	[dreg:$0xb] =	wrdreg s9;
	s3 =	sadd.s32 s16, s3  }
0x14: {  	s26 =	sadd.s32 s18, s0;
	s16 =	sadd.s32 $0x3003800, s17;
	[dreg:$0xc] =	wrdreg s3  }
0x15: {  	s18 =	simm.s32 $0x2100;
	s20 =	sadd.s32 s15, s8;
	[dreg:$0x6] =	wrdreg s16  }
0x16: {  	s21 =	sadd.s32 s19, s10;
	s22 =	sadd.s32 s19, s11;
	[dreg:$0xd] =	wrdreg s20  }
0x17: {  	s8 =	smax.u32 s12, $0x1;
	s10 =	smov.u32 s24;
	[dreg:$0xe] =	wrdreg s21  }
0x18: {  	s11 =	sadd.s32 $0x3004000, s17;
	s12 =	sadd.s32 $0x3005000, s26;
	[dreg:$0xf] =	wrdreg s22  }
0x19: {  	s15 =	sadd.s32 $0x3005400, s26;
	s17 =	simm.s32 $0x1900;
	[dreg:$0x10] =	wrdreg s8  }
0x1a: {  	s19 =	simm.s32 $0x2900;
	s26 =	simm.s32 $0x3100;
	[dreg:$0x11] =	wrdreg s11  }
0x1b: {  	v2 =	vlaneseq.u32;
	s16 =	sadd.s32 $0x603900, s0;
	s20 =	sadd.s32 $0x603A00, s0;
	[dreg:$0x9] =	wrdreg s10  }
0x1c: {  	vm0 =	vmmov $0xffff;
	vm1 =	vmmov $0xff;
	v1 =	vshrl.u32 v2, $0x3;
	s21 =	sadd.s32 $0x3012700, s0;
	s22 =	sadd.s32 $0x3006500, s0;
	[dreg:$0x12] =	wrdreg s12  }
0x1d: {  	v0 =	vand.u32 $0x7, v2;
	v2 =	vor.u32 $0x8, v2;
	v1 =	vmul.u32 $0x8, v1;
	s3 =	simm.s32 $0x2;
	s0 =	simm.s32 $0x0;
	[dreg:$0x13] =	wrdreg s15  }
.LBB2_1:
0x1e: {  	[dreg:$0x15] =	wrdreg s0  }
0x1f: {  	s8 =	rddreg [dreg:$0xc]  }
0x20: {  	s10 =	simm.s32 $0x0;
	s25 =	simm.s32 $0x900;
	s9 =	simm.s32 $0x4100  }
.LBB2_2:
0x21: {  	s24 =	rddreg [dreg:$0x6]  }
0x22: {  	s11 =	rddreg [dreg:$0x7];
	s12 =	sadd.s32 s10, s24;
	s24 =	simm.s32 $0x0  }
0x23: {  	[tilespmem:s11], [sflag:$0x3] =	stream.linear.gather [hbm4b:s12+s24], $0x80, $0x38;
	[tilespmem:$0x1E100] =	vst v63  }
0x24: {  	_ =	swait.ge [sflag:s29], $0x80  }
0x25: {  	[sflag:s29] =	ssyncset.done $0x0  }
0x26: {  	[sflag:s29] =	ssyncadd.s32 $0xFFFFFF80  }
0x27: {  	v3 =	vld [tilespmem:$0x80];
	_ =	sdelay $0x4  }
0x28: {  	v4 =	vshrl.u32 v3, $0x3  }
0x29: {  	v4 =	vmul.u32 $0x30, v4  }
0x2a: {  	v3 =	vand.u32 $0x7, v3  }
0x2b: {  	v3 =	vor.u32 v3, v4  }
0x2c: {  	v4 =	vperm.xlane v3, v0;
	_ =	sdelay $0x1  }
0x2d: {  	v4 =	vadd.s32 v1, v4;
	_ =	sdelay $0x3  }
0x2e: {  	v3 =	vperm.xlane v3, v2  }
0x2f: {  	[tilespmem:s30], [sflag:$0x2] =	stream.indirect_vreg.gather [hbm4b:s2+s24], $0x80, v4, vm0, $0xb8;
	[tilespmem:$0x1E100] =	vst v63  }
0x30: {  	v3 =	vadd.s32 v1, v3  }
0x31: {  	[tilespmem:s25], [sflag:$0x2] =	stream.indirect_vreg.gather [hbm4b:s13+s24], $0x80, v4, vm0, $0xb8;
	[tilespmem:$0x1E100] =	vst v63  }
0x32: {  	_ = 	snop  }
0x33: {  	[tilespmem:s31], [sflag:$0x2] =	stream.indirect_vreg.gather [hbm4b:s14+s24], $0x80, v4, vm0, $0xb8;
	[tilespmem:$0x1E100] =	vst v63  }
0x34: {  	_ = 	snop  }
0x35: {  	[tilespmem:s17], [sflag:$0x2] =	stream.indirect_vreg.gather [hbm4b:s2+s24], $0x80, v3, vm0, $0xb8;
	[tilespmem:$0x1E100] =	vst v63  }
0x36: {  	_ = 	snop  }
0x37: {  	[tilespmem:s18], [sflag:$0x2] =	stream.indirect_vreg.gather [hbm4b:s13+s24], $0x80, v3, vm0, $0xb8;
	[tilespmem:$0x1E100] =	vst v63  }
0x38: {  	_ = 	snop  }
0x39: {  	[tilespmem:s19], [sflag:$0x2] =	stream.indirect_vreg.gather [hbm4b:s14+s24], $0x80, v3, vm0, $0xb8;
	[tilespmem:$0x1E100] =	vst v63  }
0x3a: {  	v3 =	vld [tilespmem:$0x90];
	_ =	sdelay $0x4  }
0x3b: {  	v57 =	vshrl.u32 v3, $0x3  }
0x3c: {  	v4 =	vmul.u32 $0x30, v57  }
0x3d: {  	v3 =	vand.u32 $0x7, v3  }
0x3e: {  	v3 =	vor.u32 v3, v4  }
0x3f: {  	v4 =	vperm.xlane v3, v0;
	_ =	sdelay $0x1  }
0x40: {  	v4 =	vadd.s32 v1, v4;
	_ =	sdelay $0x3  }
0x41: {  	v3 =	vperm.xlane v3, v2  }
0x42: {  	[tilespmem:s26], [sflag:$0x2] =	stream.indirect_vreg.gather [hbm4b:s2+s24], $0x80, v4, vm0, $0xb8;
	[tilespmem:$0x1E100] =	vst v63  }
0x43: {  	v3 =	vadd.s32 v1, v3  }
0x44: {  	[tilespmem:s28], [sflag:$0x2] =	stream.indirect_vreg.gather [hbm4b:s13+s24], $0x80, v4, vm0, $0xb8;
	[tilespmem:$0x1E100] =	vst v63  }
0x45: {  	_ = 	snop  }
0x46: {  	[tilespmem:s9], [sflag:$0x2] =	stream.indirect_vreg.gather [hbm4b:s14+s24], $0x80, v4, vm0, $0xb8;
	[tilespmem:$0x1E100] =	vst v63  }
0x47: {  	s0 =	simm.s32 $0x4900  }
0x48: {  	[tilespmem:s0], [sflag:$0x2] =	stream.indirect_vreg.gather [hbm4b:s2+s24], $0x80, v3, vm0, $0xb8;
	[tilespmem:$0x1E100] =	vst v63  }
0x49: {  	s12 =	simm.s32 $0x5100  }
0x4a: {  	[tilespmem:s12], [sflag:$0x2] =	stream.indirect_vreg.gather [hbm4b:s13+s24], $0x80, v3, vm0, $0xb8;
	[tilespmem:$0x1E100] =	vst v63  }
0x4b: {  	s15 =	simm.s32 $0x5900  }
0x4c: {  	[tilespmem:s15], [sflag:$0x2] =	stream.indirect_vreg.gather [hbm4b:s14+s24], $0x80, v3, vm0, $0xb8;
	[tilespmem:$0x1E100] =	vst v63  }
0x4d: {  	v3 =	vld [tilespmem:$0xA0];
	_ =	sdelay $0x4  }
0x4e: {  	v58 =	vshrl.u32 v3, $0x3  }
0x4f: {  	v4 =	vmul.u32 $0x30, v58  }
0x50: {  	v3 =	vand.u32 $0x7, v3  }
0x51: {  	v3 =	vor.u32 v3, v4  }
0x52: {  	v4 =	vperm.xlane v3, v0;
	_ =	sdelay $0x1  }
0x53: {  	v4 =	vadd.s32 v1, v4;
	_ =	sdelay $0x3  }
0x54: {  	s0 =	simm.s32 $0x6100;
	v3 =	vperm.xlane v3, v2  }
0x55: {  	[tilespmem:s0], [sflag:$0x2] =	stream.indirect_vreg.gather [hbm4b:s2+s24], $0x80, v4, vm0, $0xb8;
	[tilespmem:$0x1E100] =	vst v63  }
0x56: {  	s12 =	simm.s32 $0x6900;
	v3 =	vadd.s32 v1, v3  }
0x57: {  	[tilespmem:s12], [sflag:$0x2] =	stream.indirect_vreg.gather [hbm4b:s13+s24], $0x80, v4, vm0, $0xb8;
	[tilespmem:$0x1E100] =	vst v63  }
0x58: {  	s15 =	simm.s32 $0x7100  }
0x59: {  	[tilespmem:s15], [sflag:$0x2] =	stream.indirect_vreg.gather [hbm4b:s14+s24], $0x80, v4, vm0, $0xb8;
	[tilespmem:$0x1E100] =	vst v63  }
0x5a: {  	s0 =	simm.s32 $0x7900  }
0x5b: {  	[tilespmem:s0], [sflag:$0x2] =	stream.indirect_vreg.gather [hbm4b:s2+s24], $0x80, v3, vm0, $0xb8;
	[tilespmem:$0x1E100] =	vst v63  }
0x5c: {  	s12 =	simm.s32 $0x8100  }
0x5d: {  	[tilespmem:s12], [sflag:$0x2] =	stream.indirect_vreg.gather [hbm4b:s13+s24], $0x80, v3, vm0, $0xb8;
	[tilespmem:$0x1E100] =	vst v63  }
0x5e: {  	s15 =	simm.s32 $0x8900  }
0x5f: {  	[tilespmem:s15], [sflag:$0x2] =	stream.indirect_vreg.gather [hbm4b:s14+s24], $0x80, v3, vm0, $0xb8;
	[tilespmem:$0x1E100] =	vst v63  }
0x60: {  	v3 =	vld [tilespmem:$0xB0];
	_ =	sdelay $0x4  }
0x61: {  	v59 =	vshrl.u32 v3, $0x3  }
0x62: {  	v4 =	vmul.u32 $0x30, v59  }
0x63: {  	v3 =	vand.u32 $0x7, v3  }
0x64: {  	v3 =	vor.u32 v3, v4  }
0x65: {  	v4 =	vperm.xlane v3, v0;
	_ =	sdelay $0x1  }
0x66: {  	v4 =	vadd.s32 v1, v4;
	_ =	sdelay $0x3  }
0x67: {  	s0 =	simm.s32 $0x9100;
	v3 =	vperm.xlane v3, v2  }
0x68: {  	[tilespmem:s0], [sflag:$0x2] =	stream.indirect_vreg.gather [hbm4b:s2+s24], $0x80, v4, vm0, $0xb8;
	[tilespmem:$0x1E100] =	vst v63  }
0x69: {  	s12 =	simm.s32 $0x9900;
	v3 =	vadd.s32 v1, v3  }
0x6a: {  	[tilespmem:s12], [sflag:$0x2] =	stream.indirect_vreg.gather [hbm4b:s13+s24], $0x80, v4, vm0, $0xb8;
	[tilespmem:$0x1E100] =	vst v63  }
0x6b: {  	s15 =	simm.s32 $0xA100  }
0x6c: {  	[tilespmem:s15], [sflag:$0x2] =	stream.indirect_vreg.gather [hbm4b:s14+s24], $0x80, v4, vm0, $0xb8;
	[tilespmem:$0x1E100] =	vst v63  }
0x6d: {  	s0 =	simm.s32 $0xA900  }
0x6e: {  	[tilespmem:s0], [sflag:$0x2] =	stream.indirect_vreg.gather [hbm4b:s2+s24], $0x80, v3, vm0, $0xb8;
	[tilespmem:$0x1E100] =	vst v63  }
0x6f: {  	s12 =	simm.s32 $0xB100  }
0x70: {  	[tilespmem:s12], [sflag:$0x2] =	stream.indirect_vreg.gather [hbm4b:s13+s24], $0x80, v3, vm0, $0xb8;
	[tilespmem:$0x1E100] =	vst v63  }
0x71: {  	s15 =	simm.s32 $0xB900  }
0x72: {  	[tilespmem:s15], [sflag:$0x2] =	stream.indirect_vreg.gather [hbm4b:s14+s24], $0x80, v3, vm0, $0xb8;
	[tilespmem:$0x1E100] =	vst v63  }
0x73: {  	v3 =	vld [tilespmem:$0xC0];
	_ =	sdelay $0x4  }
0x74: {  	v60 =	vshrl.u32 v3, $0x3  }
0x75: {  	v4 =	vmul.u32 $0x30, v60  }
0x76: {  	v3 =	vand.u32 $0x7, v3  }
0x77: {  	v3 =	vor.u32 v3, v4  }
0x78: {  	v4 =	vperm.xlane v3, v0;
	_ =	sdelay $0x1  }
0x79: {  	v4 =	vadd.s32 v1, v4;
	_ =	sdelay $0x3  }
0x7a: {  	s0 =	simm.s32 $0xC100;
	v3 =	vperm.xlane v3, v2  }
0x7b: {  	[tilespmem:s0], [sflag:$0x2] =	stream.indirect_vreg.gather [hbm4b:s2+s24], $0x80, v4, vm0, $0xb8;
	[tilespmem:$0x1E100] =	vst v63  }
0x7c: {  	s12 =	simm.s32 $0xC900;
	v3 =	vadd.s32 v1, v3  }
0x7d: {  	[tilespmem:s12], [sflag:$0x2] =	stream.indirect_vreg.gather [hbm4b:s13+s24], $0x80, v4, vm0, $0xb8;
	[tilespmem:$0x1E100] =	vst v63  }
0x7e: {  	s15 =	simm.s32 $0xD100  }
0x7f: {  	[tilespmem:s15], [sflag:$0x2] =	stream.indirect_vreg.gather [hbm4b:s14+s24], $0x80, v4, vm0, $0xb8;
	[tilespmem:$0x1E100] =	vst v63  }
0x80: {  	s0 =	simm.s32 $0xD900  }
0x81: {  	[tilespmem:s0], [sflag:$0x2] =	stream.indirect_vreg.gather [hbm4b:s2+s24], $0x80, v3, vm0, $0xb8;
	[tilespmem:$0x1E100] =	vst v63  }
0x82: {  	s12 =	simm.s32 $0xE100  }
0x83: {  	[tilespmem:s12], [sflag:$0x2] =	stream.indirect_vreg.gather [hbm4b:s13+s24], $0x80, v3, vm0, $0xb8;
	[tilespmem:$0x1E100] =	vst v63  }
0x84: {  	s15 =	simm.s32 $0xE900  }
0x85: {  	[tilespmem:s15], [sflag:$0x2] =	stream.indirect_vreg.gather [hbm4b:s14+s24], $0x80, v3, vm0, $0xb8;
	[tilespmem:$0x1E100] =	vst v63  }
0x86: {  	v3 =	vld [tilespmem:$0xD0];
	_ =	sdelay $0x4  }
0x87: {  	v61 =	vshrl.u32 v3, $0x3  }
0x88: {  	v4 =	vmul.u32 $0x30, v61  }
0x89: {  	v3 =	vand.u32 $0x7, v3  }
0x8a: {  	v3 =	vor.u32 v3, v4  }
0x8b: {  	v4 =	vperm.xlane v3, v0;
	_ =	sdelay $0x1  }
0x8c: {  	v4 =	vadd.s32 v1, v4;
	_ =	sdelay $0x3  }
0x8d: {  	s0 =	simm.s32 $0xF100;
	v3 =	vperm.xlane v3, v2  }
0x8e: {  	[tilespmem:s0], [sflag:$0x2] =	stream.indirect_vreg.gather [hbm4b:s2+s24], $0x80, v4, vm0, $0xb8;
	[tilespmem:$0x1E100] =	vst v63  }
0x8f: {  	s12 =	simm.s32 $0xF900;
	v3 =	vadd.s32 v1, v3  }
0x90: {  	[tilespmem:s12], [sflag:$0x2] =	stream.indirect_vreg.gather [hbm4b:s13+s24], $0x80, v4, vm0, $0xb8;
	[tilespmem:$0x1E100] =	vst v63  }
0x91: {  	s15 =	simm.s32 $0x10100  }
0x92: {  	[tilespmem:s15], [sflag:$0x2] =	stream.indirect_vreg.gather [hbm4b:s14+s24], $0x80, v4, vm0, $0xb8;
	[tilespmem:$0x1E100] =	vst v63  }
0x93: {  	s0 =	simm.s32 $0x10900  }
0x94: {  	[tilespmem:s0], [sflag:$0x2] =	stream.indirect_vreg.gather [hbm4b:s2+s24], $0x80, v3, vm0, $0xb8;
	[tilespmem:$0x1E100] =	vst v63  }
0x95: {  	s12 =	simm.s32 $0x11100  }
0x96: {  	[tilespmem:s12], [sflag:$0x2] =	stream.indirect_vreg.gather [hbm4b:s13+s24], $0x80, v3, vm0, $0xb8;
	[tilespmem:$0x1E100] =	vst v63  }
0x97: {  	s15 =	simm.s32 $0x11900  }
0x98: {  	[tilespmem:s15], [sflag:$0x2] =	stream.indirect_vreg.gather [hbm4b:s14+s24], $0x80, v3, vm0, $0xb8;
	[tilespmem:$0x1E100] =	vst v63  }
0x99: {  	v3 =	vld [tilespmem:$0xE0];
	_ =	sdelay $0x4  }
0x9a: {  	v62 =	vshrl.u32 v3, $0x3  }
0x9b: {  	v4 =	vmul.u32 $0x30, v62  }
0x9c: {  	v3 =	vand.u32 $0x7, v3  }
0x9d: {  	v3 =	vor.u32 v3, v4  }
0x9e: {  	v4 =	vperm.xlane v3, v0;
	_ =	sdelay $0x1  }
0x9f: {  	v4 =	vadd.s32 v1, v4;
	_ =	sdelay $0x3  }
0xa0: {  	s0 =	simm.s32 $0x12100;
	v3 =	vperm.xlane v3, v2  }
0xa1: {  	[tilespmem:s0], [sflag:$0x2] =	stream.indirect_vreg.gather [hbm4b:s2+s24], $0x80, v4, vm0, $0xb8;
	[tilespmem:$0x1E100] =	vst v63  }
0xa2: {  	s12 =	simm.s32 $0x12900;
	v3 =	vadd.s32 v1, v3  }
0xa3: {  	[tilespmem:s12], [sflag:$0x2] =	stream.indirect_vreg.gather [hbm4b:s13+s24], $0x80, v4, vm0, $0xb8;
	[tilespmem:$0x1E100] =	vst v63  }
0xa4: {  	s15 =	simm.s32 $0x13100  }
0xa5: {  	[tilespmem:s15], [sflag:$0x2] =	stream.indirect_vreg.gather [hbm4b:s14+s24], $0x80, v4, vm0, $0xb8;
	[tilespmem:$0x1E100] =	vst v63  }
0xa6: {  	s0 =	simm.s32 $0x13900  }
0xa7: {  	[tilespmem:s0], [sflag:$0x2] =	stream.indirect_vreg.gather [hbm4b:s2+s24], $0x80, v3, vm0, $0xb8;
	[tilespmem:$0x1E100] =	vst v63  }
0xa8: {  	s12 =	simm.s32 $0x14100  }
0xa9: {  	[tilespmem:s12], [sflag:$0x2] =	stream.indirect_vreg.gather [hbm4b:s13+s24], $0x80, v3, vm0, $0xb8;
	[tilespmem:$0x1E100] =	vst v63  }
0xaa: {  	s15 =	simm.s32 $0x14900  }
0xab: {  	[tilespmem:s15], [sflag:$0x2] =	stream.indirect_vreg.gather [hbm4b:s14+s24], $0x80, v3, vm0, $0xb8;
	[tilespmem:$0x1E100] =	vst v63  }
0xac: {  	v3 =	vld [tilespmem:$0xF0];
	_ =	sdelay $0x4  }
0xad: {  	v63 =	vshrl.u32 v3, $0x3  }
0xae: {  	v4 =	vmul.u32 $0x30, v63  }
0xaf: {  	v3 =	vand.u32 $0x7, v3  }
0xb0: {  	v3 =	vor.u32 v3, v4  }
0xb1: {  	v4 =	vperm.xlane v3, v0;
	_ =	sdelay $0x1  }
0xb2: {  	v4 =	vadd.s32 v1, v4;
	_ =	sdelay $0x3  }
0xb3: {  	s0 =	simm.s32 $0x15100;
	v3 =	vperm.xlane v3, v2  }
0xb4: {  	[tilespmem:s0], [sflag:$0x2] =	stream.indirect_vreg.gather [hbm4b:s2+s24], $0x80, v4, vm0, $0xb8;
	[tilespmem:$0x1E100] =	vst v63  }
0xb5: {  	s12 =	simm.s32 $0x15900;
	v3 =	vadd.s32 v1, v3  }
0xb6: {  	[tilespmem:s12], [sflag:$0x2] =	stream.indirect_vreg.gather [hbm4b:s13+s24], $0x80, v4, vm0, $0xb8;
	[tilespmem:$0x1E100] =	vst v63  }
0xb7: {  	s15 =	simm.s32 $0x16100  }
0xb8: {  	[tilespmem:s15], [sflag:$0x2] =	stream.indirect_vreg.gather [hbm4b:s14+s24], $0x80, v4, vm0, $0xb8;
	[tilespmem:$0x1E100] =	vst v63  }
0xb9: {  	s0 =	simm.s32 $0x16900  }
0xba: {  	[tilespmem:s0], [sflag:$0x2] =	stream.indirect_vreg.gather [hbm4b:s2+s24], $0x80, v3, vm0, $0xb8;
	[tilespmem:$0x1E100] =	vst v63  }
0xbb: {  	s12 =	simm.s32 $0x17100  }
0xbc: {  	[tilespmem:s12], [sflag:$0x2] =	stream.indirect_vreg.gather [hbm4b:s13+s24], $0x80, v3, vm0, $0xb8;
	[tilespmem:$0x1E100] =	vst v63  }
0xbd: {  	s15 =	simm.s32 $0x17900  }
0xbe: {  	[tilespmem:s15], [sflag:$0x2] =	stream.indirect_vreg.gather [hbm4b:s14+s24], $0x80, v3, vm0, $0xb8;
	[tilespmem:$0x1E100] =	vst v63  }
0xbf: {  	_ =	swait.ge [sflag:s3], $0x18000  }
0xc0: {  	p1 =	sne.s32 s10, $0x30;
	[sflag:s3] =	ssyncset.done $0x0  }
.Ltmp0:
0xc1: {  	[sflag:s3] =	ssyncadd.s32 $0xFFFE8000;
	(pc) =	sbr.rel @p1 .LBB2_2-.Ltmp0, $4  }
0xc2: {  	[hbm4b:s8+s24] =	stream.linear.scatter [tilespmem:s30], [sflag:$0x3], $0x18000, $0x38;
	[tilespmem:$0x1E100] =	vst v63  }
0xc3: {  	_ =	swait.ge [sflag:s29], $0x18000  }
0xc4: {  	p0 =	por $0x1, $0x1;
	[sflag:s29] =	ssyncset.done $0x0  }
0xc5: {  	s10 =	sadd.s32 $0x10, s10;
	s8 =	sadd.s32 $0x3000, s8;
	[sflag:s29] =	ssyncadd.s32 $0xFFFE8000  }
0xc6: {  	p1 =	por $0x1, $0x1  }
0xc7: {  	s8 =	simm.s32 $0x0;
	s12 =	rddreg [dreg:$0x8];
	s19 =	simm.s32 $0x4100  }
0xc8: {  	s9 =	simm.s32 $0x3900;
	s18 =	simm.s32 $0x3100;
	s17 =	simm.s32 $0x2900  }
0xc9: {  	s15 =	simm.s32 $0x2100;
	s31 =	simm.s32 $0x1900;
	s25 =	rddreg [dreg:$0xa]  }
0xca: {  	s28 =	simm.s32 $0x1100;
	s26 =	simm.s32 $0x900;
	s0 =	rddreg [dreg:$0x14]  }
.LBB2_4:
0xcb: {  	s8 =	sor.u32 s0, s8  }
0xcc: {  	s10 =	sshrl.u32 s8, $0x3  }
0xcd: {  	s8 =	simm.s32 $0x80;
	s11 =	sadd.s32 s12, s10  }
0xce: {  	[tilespmem:s8], [sflag:$0x3] =	stream.linear.gather [hbm4b:s11+s24], $0x80, $0x38;
	[tilespmem:$0x1E100] =	vst v63  }
0xcf: {  	_ =	swait.ge [sflag:s29], $0x80  }
0xd0: {  	[sflag:s29] =	ssyncset.done $0x0  }
0xd1: {  	[sflag:s29] =	ssyncadd.s32 $0xFFFFFF80  }
0xd2: {  	v3 =	vld [tilespmem:$0x80];
	_ =	sdelay $0x4  }
0xd3: {  	v4 =	vshrl.u32 v3, $0x3  }
0xd4: {  	v4 =	vmul.u32 $0x30, v4  }
0xd5: {  	v3 =	vand.u32 $0x7, v3  }
0xd6: {  	v3 =	vor.u32 v3, v4  }
0xd7: {  	v4 =	vperm.xlane v3, v0;
	_ =	sdelay $0x1  }
0xd8: {  	v4 =	vadd.s32 v1, v4;
	_ =	sdelay $0x3  }
0xd9: {  	v3 =	vperm.xlane v3, v2  }
0xda: {  	[tilespmem:s30], [sflag:$0x2] =	stream.indirect_vreg.gather [hbm4b:s2+s24], $0x80, v4, vm0, $0xb8;
	[tilespmem:$0x1E100] =	vst v63  }
0xdb: {  	v3 =	vadd.s32 v1, v3  }
0xdc: {  	[tilespmem:s26], [sflag:$0x2] =	stream.indirect_vreg.gather [hbm4b:s13+s24], $0x80, v4, vm0, $0xb8;
	[tilespmem:$0x1E100] =	vst v63  }
0xdd: {  	_ = 	snop  }
0xde: {  	[tilespmem:s28], [sflag:$0x2] =	stream.indirect_vreg.gather [hbm4b:s14+s24], $0x80, v4, vm0, $0xb8;
	[tilespmem:$0x1E100] =	vst v63  }
0xdf: {  	_ = 	snop  }
0xe0: {  	[tilespmem:s31], [sflag:$0x2] =	stream.indirect_vreg.gather [hbm4b:s2+s24], $0x80, v3, vm0, $0xb8;
	[tilespmem:$0x1E100] =	vst v63  }
0xe1: {  	_ = 	snop  }
0xe2: {  	[tilespmem:s15], [sflag:$0x2] =	stream.indirect_vreg.gather [hbm4b:s13+s24], $0x80, v3, vm0, $0xb8;
	[tilespmem:$0x1E100] =	vst v63  }
0xe3: {  	_ = 	snop  }
0xe4: {  	[tilespmem:s17], [sflag:$0x2] =	stream.indirect_vreg.gather [hbm4b:s14+s24], $0x80, v3, vm0, $0xb8;
	[tilespmem:$0x1E100] =	vst v63  }
0xe5: {  	v3 =	vld [tilespmem:$0x90];
	_ =	sdelay $0x4  }
0xe6: {  	v57 =	vshrl.u32 v3, $0x3  }
0xe7: {  	v4 =	vmul.u32 $0x30, v57  }
0xe8: {  	v3 =	vand.u32 $0x7, v3  }
0xe9: {  	v3 =	vor.u32 v3, v4  }
0xea: {  	v4 =	vperm.xlane v3, v0;
	_ =	sdelay $0x1  }
0xeb: {  	v4 =	vadd.s32 v1, v4;
	_ =	sdelay $0x3  }
0xec: {  	v3 =	vperm.xlane v3, v2  }
0xed: {  	[tilespmem:s18], [sflag:$0x2] =	stream.indirect_vreg.gather [hbm4b:s2+s24], $0x80, v4, vm0, $0xb8;
	[tilespmem:$0x1E100] =	vst v63  }
0xee: {  	v3 =	vadd.s32 v1, v3  }
0xef: {  	[tilespmem:s9], [sflag:$0x2] =	stream.indirect_vreg.gather [hbm4b:s13+s24], $0x80, v4, vm0, $0xb8;
	[tilespmem:$0x1E100] =	vst v63  }
0xf0: {  	_ = 	snop  }
0xf1: {  	[tilespmem:s19], [sflag:$0x2] =	stream.indirect_vreg.gather [hbm4b:s14+s24], $0x80, v4, vm0, $0xb8;
	[tilespmem:$0x1E100] =	vst v63  }
0xf2: {  	s11 =	simm.s32 $0x4900  }
0xf3: {  	[tilespmem:s11], [sflag:$0x2] =	stream.indirect_vreg.gather [hbm4b:s2+s24], $0x80, v3, vm0, $0xb8;
	[tilespmem:$0x1E100] =	vst v63  }
0xf4: {  	s11 =	simm.s32 $0x5100  }
0xf5: {  	[tilespmem:s11], [sflag:$0x2] =	stream.indirect_vreg.gather [hbm4b:s13+s24], $0x80, v3, vm0, $0xb8;
	[tilespmem:$0x1E100] =	vst v63  }
0xf6: {  	s11 =	simm.s32 $0x5900  }
0xf7: {  	[tilespmem:s11], [sflag:$0x2] =	stream.indirect_vreg.gather [hbm4b:s14+s24], $0x80, v3, vm0, $0xb8;
	[tilespmem:$0x1E100] =	vst v63  }
0xf8: {  	v3 =	vld [tilespmem:$0xA0];
	_ =	sdelay $0x4  }
0xf9: {  	v58 =	vshrl.u32 v3, $0x3  }
0xfa: {  	v4 =	vmul.u32 $0x30, v58  }
0xfb: {  	v3 =	vand.u32 $0x7, v3  }
0xfc: {  	v3 =	vor.u32 v3, v4  }
0xfd: {  	v4 =	vperm.xlane v3, v0;
	_ =	sdelay $0x1  }
0xfe: {  	v4 =	vadd.s32 v1, v4;
	_ =	sdelay $0x3  }
0xff: {  	s11 =	simm.s32 $0x6100;
	v3 =	vperm.xlane v3, v2  }
0x100: {  	[tilespmem:s11], [sflag:$0x2] =	stream.indirect_vreg.gather [hbm4b:s2+s24], $0x80, v4, vm0, $0xb8;
	[tilespmem:$0x1E100] =	vst v63  }
0x101: {  	v3 =	vadd.s32 v1, v3;
	s11 =	simm.s32 $0x6900  }
0x102: {  	[tilespmem:s11], [sflag:$0x2] =	stream.indirect_vreg.gather [hbm4b:s13+s24], $0x80, v4, vm0, $0xb8;
	[tilespmem:$0x1E100] =	vst v63  }
0x103: {  	s11 =	simm.s32 $0x7100  }
0x104: {  	[tilespmem:s11], [sflag:$0x2] =	stream.indirect_vreg.gather [hbm4b:s14+s24], $0x80, v4, vm0, $0xb8;
	[tilespmem:$0x1E100] =	vst v63  }
0x105: {  	s11 =	simm.s32 $0x7900  }
0x106: {  	[tilespmem:s11], [sflag:$0x2] =	stream.indirect_vreg.gather [hbm4b:s2+s24], $0x80, v3, vm0, $0xb8;
	[tilespmem:$0x1E100] =	vst v63  }
0x107: {  	s11 =	simm.s32 $0x8100  }
0x108: {  	[tilespmem:s11], [sflag:$0x2] =	stream.indirect_vreg.gather [hbm4b:s13+s24], $0x80, v3, vm0, $0xb8;
	[tilespmem:$0x1E100] =	vst v63  }
0x109: {  	s11 =	simm.s32 $0x8900  }
0x10a: {  	[tilespmem:s11], [sflag:$0x2] =	stream.indirect_vreg.gather [hbm4b:s14+s24], $0x80, v3, vm0, $0xb8;
	[tilespmem:$0x1E100] =	vst v63  }
0x10b: {  	v3 =	vld [tilespmem:$0xB0];
	_ =	sdelay $0x4  }
0x10c: {  	v59 =	vshrl.u32 v3, $0x3  }
0x10d: {  	v4 =	vmul.u32 $0x30, v59  }
0x10e: {  	v3 =	vand.u32 $0x7, v3  }
0x10f: {  	v3 =	vor.u32 v3, v4  }
0x110: {  	v4 =	vperm.xlane v3, v0;
	_ =	sdelay $0x1  }
0x111: {  	v4 =	vadd.s32 v1, v4;
	_ =	sdelay $0x3  }
0x112: {  	s11 =	simm.s32 $0x9100;
	v3 =	vperm.xlane v3, v2  }
0x113: {  	[tilespmem:s11], [sflag:$0x2] =	stream.indirect_vreg.gather [hbm4b:s2+s24], $0x80, v4, vm0, $0xb8;
	[tilespmem:$0x1E100] =	vst v63  }
0x114: {  	v3 =	vadd.s32 v1, v3;
	s11 =	simm.s32 $0x9900  }
0x115: {  	[tilespmem:s11], [sflag:$0x2] =	stream.indirect_vreg.gather [hbm4b:s13+s24], $0x80, v4, vm0, $0xb8;
	[tilespmem:$0x1E100] =	vst v63  }
0x116: {  	s11 =	simm.s32 $0xA100  }
0x117: {  	[tilespmem:s11], [sflag:$0x2] =	stream.indirect_vreg.gather [hbm4b:s14+s24], $0x80, v4, vm0, $0xb8;
	[tilespmem:$0x1E100] =	vst v63  }
0x118: {  	s11 =	simm.s32 $0xA900  }
0x119: {  	[tilespmem:s11], [sflag:$0x2] =	stream.indirect_vreg.gather [hbm4b:s2+s24], $0x80, v3, vm0, $0xb8;
	[tilespmem:$0x1E100] =	vst v63  }
0x11a: {  	s11 =	simm.s32 $0xB100  }
0x11b: {  	[tilespmem:s11], [sflag:$0x2] =	stream.indirect_vreg.gather [hbm4b:s13+s24], $0x80, v3, vm0, $0xb8;
	[tilespmem:$0x1E100] =	vst v63  }
0x11c: {  	s11 =	simm.s32 $0xB900  }
0x11d: {  	[tilespmem:s11], [sflag:$0x2] =	stream.indirect_vreg.gather [hbm4b:s14+s24], $0x80, v3, vm0, $0xb8;
	[tilespmem:$0x1E100] =	vst v63  }
0x11e: {  	v3 =	vld [tilespmem:$0xC0];
	_ =	sdelay $0x4  }
0x11f: {  	v60 =	vshrl.u32 v3, $0x3  }
0x120: {  	v4 =	vmul.u32 $0x30, v60  }
0x121: {  	v3 =	vand.u32 $0x7, v3  }
0x122: {  	v3 =	vor.u32 v3, v4  }
0x123: {  	v4 =	vperm.xlane v3, v0;
	_ =	sdelay $0x1  }
0x124: {  	v4 =	vadd.s32 v1, v4;
	_ =	sdelay $0x3  }
0x125: {  	s11 =	simm.s32 $0xC100;
	v3 =	vperm.xlane v3, v2  }
0x126: {  	[tilespmem:s11], [sflag:$0x2] =	stream.indirect_vreg.gather [hbm4b:s2+s24], $0x80, v4, vm0, $0xb8;
	[tilespmem:$0x1E100] =	vst v63  }
0x127: {  	v3 =	vadd.s32 v1, v3;
	s11 =	simm.s32 $0xC900  }
0x128: {  	[tilespmem:s11], [sflag:$0x2] =	stream.indirect_vreg.gather [hbm4b:s13+s24], $0x80, v4, vm0, $0xb8;
	[tilespmem:$0x1E100] =	vst v63  }
0x129: {  	s11 =	simm.s32 $0xD100  }
0x12a: {  	[tilespmem:s11], [sflag:$0x2] =	stream.indirect_vreg.gather [hbm4b:s14+s24], $0x80, v4, vm0, $0xb8;
	[tilespmem:$0x1E100] =	vst v63  }
0x12b: {  	s11 =	simm.s32 $0xD900  }
0x12c: {  	[tilespmem:s11], [sflag:$0x2] =	stream.indirect_vreg.gather [hbm4b:s2+s24], $0x80, v3, vm0, $0xb8;
	[tilespmem:$0x1E100] =	vst v63  }
0x12d: {  	s11 =	simm.s32 $0xE100  }
0x12e: {  	[tilespmem:s11], [sflag:$0x2] =	stream.indirect_vreg.gather [hbm4b:s13+s24], $0x80, v3, vm0, $0xb8;
	[tilespmem:$0x1E100] =	vst v63  }
0x12f: {  	s11 =	simm.s32 $0xE900  }
0x130: {  	[tilespmem:s11], [sflag:$0x2] =	stream.indirect_vreg.gather [hbm4b:s14+s24], $0x80, v3, vm0, $0xb8;
	[tilespmem:$0x1E100] =	vst v63  }
0x131: {  	v3 =	vld [tilespmem:$0xD0];
	_ =	sdelay $0x4  }
0x132: {  	v61 =	vshrl.u32 v3, $0x3  }
0x133: {  	v4 =	vmul.u32 $0x30, v61  }
0x134: {  	v3 =	vand.u32 $0x7, v3  }
0x135: {  	v3 =	vor.u32 v3, v4  }
0x136: {  	v4 =	vperm.xlane v3, v0;
	_ =	sdelay $0x1  }
0x137: {  	v4 =	vadd.s32 v1, v4;
	_ =	sdelay $0x3  }
0x138: {  	s11 =	simm.s32 $0xF100;
	v3 =	vperm.xlane v3, v2  }
0x139: {  	[tilespmem:s11], [sflag:$0x2] =	stream.indirect_vreg.gather [hbm4b:s2+s24], $0x80, v4, vm0, $0xb8;
	[tilespmem:$0x1E100] =	vst v63  }
0x13a: {  	v3 =	vadd.s32 v1, v3;
	s11 =	simm.s32 $0xF900  }
0x13b: {  	[tilespmem:s11], [sflag:$0x2] =	stream.indirect_vreg.gather [hbm4b:s13+s24], $0x80, v4, vm0, $0xb8;
	[tilespmem:$0x1E100] =	vst v63  }
0x13c: {  	s11 =	simm.s32 $0x10100  }
0x13d: {  	[tilespmem:s11], [sflag:$0x2] =	stream.indirect_vreg.gather [hbm4b:s14+s24], $0x80, v4, vm0, $0xb8;
	[tilespmem:$0x1E100] =	vst v63  }
0x13e: {  	s11 =	simm.s32 $0x10900  }
0x13f: {  	[tilespmem:s11], [sflag:$0x2] =	stream.indirect_vreg.gather [hbm4b:s2+s24], $0x80, v3, vm0, $0xb8;
	[tilespmem:$0x1E100] =	vst v63  }
0x140: {  	s11 =	simm.s32 $0x11100  }
0x141: {  	[tilespmem:s11], [sflag:$0x2] =	stream.indirect_vreg.gather [hbm4b:s13+s24], $0x80, v3, vm0, $0xb8;
	[tilespmem:$0x1E100] =	vst v63  }
0x142: {  	s11 =	simm.s32 $0x11900  }
0x143: {  	[tilespmem:s11], [sflag:$0x2] =	stream.indirect_vreg.gather [hbm4b:s14+s24], $0x80, v3, vm0, $0xb8;
	[tilespmem:$0x1E100] =	vst v63  }
0x144: {  	v3 =	vld [tilespmem:$0xE0];
	_ =	sdelay $0x4  }
0x145: {  	v62 =	vshrl.u32 v3, $0x3  }
0x146: {  	v4 =	vmul.u32 $0x30, v62  }
0x147: {  	v3 =	vand.u32 $0x7, v3  }
0x148: {  	v3 =	vor.u32 v3, v4  }
0x149: {  	v4 =	vperm.xlane v3, v0;
	_ =	sdelay $0x1  }
0x14a: {  	v4 =	vadd.s32 v1, v4;
	_ =	sdelay $0x3  }
0x14b: {  	s11 =	simm.s32 $0x12100;
	v3 =	vperm.xlane v3, v2  }
0x14c: {  	[tilespmem:s11], [sflag:$0x2] =	stream.indirect_vreg.gather [hbm4b:s2+s24], $0x80, v4, vm0, $0xb8;
	[tilespmem:$0x1E100] =	vst v63  }
0x14d: {  	v3 =	vadd.s32 v1, v3;
	s11 =	simm.s32 $0x12900  }
0x14e: {  	[tilespmem:s11], [sflag:$0x2] =	stream.indirect_vreg.gather [hbm4b:s13+s24], $0x80, v4, vm0, $0xb8;
	[tilespmem:$0x1E100] =	vst v63  }
0x14f: {  	s11 =	simm.s32 $0x13100  }
0x150: {  	[tilespmem:s11], [sflag:$0x2] =	stream.indirect_vreg.gather [hbm4b:s14+s24], $0x80, v4, vm0, $0xb8;
	[tilespmem:$0x1E100] =	vst v63  }
0x151: {  	s11 =	simm.s32 $0x13900  }
0x152: {  	[tilespmem:s11], [sflag:$0x2] =	stream.indirect_vreg.gather [hbm4b:s2+s24], $0x80, v3, vm0, $0xb8;
	[tilespmem:$0x1E100] =	vst v63  }
0x153: {  	s11 =	simm.s32 $0x14100  }
0x154: {  	[tilespmem:s11], [sflag:$0x2] =	stream.indirect_vreg.gather [hbm4b:s13+s24], $0x80, v3, vm0, $0xb8;
	[tilespmem:$0x1E100] =	vst v63  }
0x155: {  	s11 =	simm.s32 $0x14900  }
0x156: {  	[tilespmem:s11], [sflag:$0x2] =	stream.indirect_vreg.gather [hbm4b:s14+s24], $0x80, v3, vm0, $0xb8;
	[tilespmem:$0x1E100] =	vst v63  }
0x157: {  	v3 =	vld [tilespmem:$0xF0];
	_ =	sdelay $0x4  }
0x158: {  	v63 =	vshrl.u32 v3, $0x3  }
0x159: {  	v4 =	vmul.u32 $0x30, v63  }
0x15a: {  	v3 =	vand.u32 $0x7, v3  }
0x15b: {  	v3 =	vor.u32 v3, v4  }
0x15c: {  	v4 =	vperm.xlane v3, v0;
	_ =	sdelay $0x1  }
0x15d: {  	v4 =	vadd.s32 v1, v4;
	_ =	sdelay $0x3  }
0x15e: {  	s11 =	simm.s32 $0x15100;
	v3 =	vperm.xlane v3, v2  }
0x15f: {  	[tilespmem:s11], [sflag:$0x2] =	stream.indirect_vreg.gather [hbm4b:s2+s24], $0x80, v4, vm0, $0xb8;
	[tilespmem:$0x1E100] =	vst v63  }
0x160: {  	v3 =	vadd.s32 v1, v3;
	s11 =	simm.s32 $0x15900  }
0x161: {  	[tilespmem:s11], [sflag:$0x2] =	stream.indirect_vreg.gather [hbm4b:s13+s24], $0x80, v4, vm0, $0xb8;
	[tilespmem:$0x1E100] =	vst v63  }
0x162: {  	s11 =	simm.s32 $0x16100  }
0x163: {  	[tilespmem:s11], [sflag:$0x2] =	stream.indirect_vreg.gather [hbm4b:s14+s24], $0x80, v4, vm0, $0xb8;
	[tilespmem:$0x1E100] =	vst v63  }
0x164: {  	s11 =	simm.s32 $0x16900  }
0x165: {  	[tilespmem:s11], [sflag:$0x2] =	stream.indirect_vreg.gather [hbm4b:s2+s24], $0x80, v3, vm0, $0xb8;
	[tilespmem:$0x1E100] =	vst v63  }
0x166: {  	s11 =	simm.s32 $0x17100  }
0x167: {  	[tilespmem:s11], [sflag:$0x2] =	stream.indirect_vreg.gather [hbm4b:s13+s24], $0x80, v3, vm0, $0xb8;
	[tilespmem:$0x1E100] =	vst v63  }
0x168: {  	s11 =	simm.s32 $0x17900  }
0x169: {  	[tilespmem:s11], [sflag:$0x2] =	stream.indirect_vreg.gather [hbm4b:s14+s24], $0x80, v3, vm0, $0xb8;
	[tilespmem:$0x1E100] =	vst v63  }
0x16a: {  	s10 =	smul.u32 $0x300, s10;
	_ =	swait.ge [sflag:s3], $0x18000  }
0x16b: {  	p2 =	por p1, p1;
	[sflag:s3] =	ssyncset.done $0x0  }
.Ltmp1:
0x16c: {  	s10 =	sadd.s32 s25, s10;
	[sflag:s3] =	ssyncadd.s32 $0xFFFE8000;
	(pc) =	sbr.rel @p2 .LBB2_4-.Ltmp1, $4  }
0x16d: {  	[hbm4b:s10+s24] =	stream.linear.scatter [tilespmem:s30], [sflag:$0x3], $0x18000, $0x38;
	[tilespmem:$0x1E100] =	vst v63  }
0x16e: {  	_ =	swait.ge [sflag:s29], $0x18000  }
0x16f: {  	[sflag:s29] =	ssyncset.done $0x0  }
0x170: {  	p1 =	por $0x0, $0x0;
	[sflag:s29] =	ssyncadd.s32 $0xFFFE8000  }
0x171: {  	s15 =	rddreg [dreg:$0x9]  }
0x172: {  	s12 =	rddreg [dreg:$0xb];
	s25 =	simm.s32 $0x2100  }
.LBB2_6:
0x173: {  	s8 =	sor.u32 s0, s24  }
0x174: {  	s10 =	sshrl.u32 s8, $0x3  }
0x175: {  	s24 =	simm.s32 $0x80;
	s8 =	simm.s32 $0x0;
	s11 =	sadd.s32 s15, s10  }
0x176: {  	[tilespmem:s24], [sflag:$0x3] =	stream.linear.gather [hbm4b:s11+s8], $0x80, $0x38;
	[tilespmem:$0x1E100] =	vst v63  }
0x177: {  	_ =	swait.ge [sflag:s29], $0x80  }
0x178: {  	[sflag:s29] =	ssyncset.done $0x0  }
0x179: {  	[sflag:s29] =	ssyncadd.s32 $0xFFFFFF80  }
0x17a: {  	v3 =	vld [tilespmem:$0x80];
	_ =	sdelay $0x4  }
0x17b: {  	v4 =	vshrl.u32 v3, $0x3  }
0x17c: {  	v4 =	vmul.u32 $0x30, v4  }
0x17d: {  	v3 =	vand.u32 $0x7, v3  }
0x17e: {  	v3 =	vor.u32 v3, v4  }
0x17f: {  	v4 =	vperm.xlane v3, v0;
	_ =	sdelay $0x1  }
0x180: {  	v4 =	vadd.s32 v1, v4;
	_ =	sdelay $0x3  }
0x181: {  	v3 =	vperm.xlane v3, v2  }
0x182: {  	[tilespmem:s30], [sflag:$0x2] =	stream.indirect_vreg.gather [hbm4b:s4+s8], $0x80, v4, vm0, $0xb8;
	[tilespmem:$0x1E100] =	vst v63  }
0x183: {  	v3 =	vadd.s32 v1, v3  }
0x184: {  	[tilespmem:s26], [sflag:$0x2] =	stream.indirect_vreg.gather [hbm4b:s16+s8], $0x80, v4, vm0, $0xb8;
	[tilespmem:$0x1E100] =	vst v63  }
0x185: {  	_ = 	snop  }
0x186: {  	[tilespmem:s28], [sflag:$0x2] =	stream.indirect_vreg.gather [hbm4b:s20+s8], $0x80, v4, vm0, $0xb8;
	[tilespmem:$0x1E100] =	vst v63  }
0x187: {  	_ = 	snop  }
0x188: {  	[tilespmem:s31], [sflag:$0x2] =	stream.indirect_vreg.gather [hbm4b:s4+s8], $0x80, v3, vm0, $0xb8;
	[tilespmem:$0x1E100] =	vst v63  }
0x189: {  	_ = 	snop  }
0x18a: {  	[tilespmem:s25], [sflag:$0x2] =	stream.indirect_vreg.gather [hbm4b:s16+s8], $0x80, v3, vm0, $0xb8;
	[tilespmem:$0x1E100] =	vst v63  }
0x18b: {  	_ = 	snop  }
0x18c: {  	[tilespmem:s17], [sflag:$0x2] =	stream.indirect_vreg.gather [hbm4b:s20+s8], $0x80, v3, vm0, $0xb8;
	[tilespmem:$0x1E100] =	vst v63  }
0x18d: {  	v3 =	vld [tilespmem:$0x90];
	_ =	sdelay $0x4  }
0x18e: {  	v57 =	vshrl.u32 v3, $0x3  }
0x18f: {  	v4 =	vmul.u32 $0x30, v57  }
0x190: {  	v3 =	vand.u32 $0x7, v3  }
0x191: {  	v3 =	vor.u32 v3, v4  }
0x192: {  	v4 =	vperm.xlane v3, v0;
	_ =	sdelay $0x1  }
0x193: {  	v4 =	vadd.s32 v1, v4;
	_ =	sdelay $0x3  }
0x194: {  	v3 =	vperm.xlane v3, v2  }
0x195: {  	[tilespmem:s18], [sflag:$0x2] =	stream.indirect_vreg.gather [hbm4b:s4+s8], $0x80, v4, vm0, $0xb8;
	[tilespmem:$0x1E100] =	vst v63  }
0x196: {  	v3 =	vadd.s32 v1, v3  }
0x197: {  	[tilespmem:s9], [sflag:$0x2] =	stream.indirect_vreg.gather [hbm4b:s16+s8], $0x80, v4, vm0, $0xb8;
	[tilespmem:$0x1E100] =	vst v63  }
0x198: {  	_ = 	snop  }
0x199: {  	[tilespmem:s19], [sflag:$0x2] =	stream.indirect_vreg.gather [hbm4b:s20+s8], $0x80, v4, vm0, $0xb8;
	[tilespmem:$0x1E100] =	vst v63  }
0x19a: {  	s11 =	simm.s32 $0x4900  }
0x19b: {  	[tilespmem:s11], [sflag:$0x2] =	stream.indirect_vreg.gather [hbm4b:s4+s8], $0x80, v3, vm0, $0xb8;
	[tilespmem:$0x1E100] =	vst v63  }
0x19c: {  	s11 =	simm.s32 $0x5100  }
0x19d: {  	[tilespmem:s11], [sflag:$0x2] =	stream.indirect_vreg.gather [hbm4b:s16+s8], $0x80, v3, vm0, $0xb8;
	[tilespmem:$0x1E100] =	vst v63  }
0x19e: {  	s11 =	simm.s32 $0x5900  }
0x19f: {  	[tilespmem:s11], [sflag:$0x2] =	stream.indirect_vreg.gather [hbm4b:s20+s8], $0x80, v3, vm0, $0xb8;
	[tilespmem:$0x1E100] =	vst v63  }
0x1a0: {  	v3 =	vld [tilespmem:$0xA0];
	_ =	sdelay $0x4  }
0x1a1: {  	v58 =	vshrl.u32 v3, $0x3  }
0x1a2: {  	v4 =	vmul.u32 $0x30, v58  }
0x1a3: {  	v3 =	vand.u32 $0x7, v3  }
0x1a4: {  	v3 =	vor.u32 v3, v4  }
0x1a5: {  	v4 =	vperm.xlane v3, v0;
	_ =	sdelay $0x1  }
0x1a6: {  	v4 =	vadd.s32 v1, v4;
	_ =	sdelay $0x3  }
0x1a7: {  	s11 =	simm.s32 $0x6100;
	v3 =	vperm.xlane v3, v2  }
0x1a8: {  	[tilespmem:s11], [sflag:$0x2] =	stream.indirect_vreg.gather [hbm4b:s4+s8], $0x80, v4, vm0, $0xb8;
	[tilespmem:$0x1E100] =	vst v63  }
0x1a9: {  	v3 =	vadd.s32 v1, v3;
	s11 =	simm.s32 $0x6900  }
0x1aa: {  	[tilespmem:s11], [sflag:$0x2] =	stream.indirect_vreg.gather [hbm4b:s16+s8], $0x80, v4, vm0, $0xb8;
	[tilespmem:$0x1E100] =	vst v63  }
0x1ab: {  	s11 =	simm.s32 $0x7100  }
0x1ac: {  	[tilespmem:s11], [sflag:$0x2] =	stream.indirect_vreg.gather [hbm4b:s20+s8], $0x80, v4, vm0, $0xb8;
	[tilespmem:$0x1E100] =	vst v63  }
0x1ad: {  	s11 =	simm.s32 $0x7900  }
0x1ae: {  	[tilespmem:s11], [sflag:$0x2] =	stream.indirect_vreg.gather [hbm4b:s4+s8], $0x80, v3, vm0, $0xb8;
	[tilespmem:$0x1E100] =	vst v63  }
0x1af: {  	s11 =	simm.s32 $0x8100  }
0x1b0: {  	[tilespmem:s11], [sflag:$0x2] =	stream.indirect_vreg.gather [hbm4b:s16+s8], $0x80, v3, vm0, $0xb8;
	[tilespmem:$0x1E100] =	vst v63  }
0x1b1: {  	s11 =	simm.s32 $0x8900  }
0x1b2: {  	[tilespmem:s11], [sflag:$0x2] =	stream.indirect_vreg.gather [hbm4b:s20+s8], $0x80, v3, vm0, $0xb8;
	[tilespmem:$0x1E100] =	vst v63  }
0x1b3: {  	v3 =	vld [tilespmem:$0xB0];
	_ =	sdelay $0x4  }
0x1b4: {  	v59 =	vshrl.u32 v3, $0x3  }
0x1b5: {  	v4 =	vmul.u32 $0x30, v59  }
0x1b6: {  	v3 =	vand.u32 $0x7, v3  }
0x1b7: {  	v3 =	vor.u32 v3, v4  }
0x1b8: {  	v4 =	vperm.xlane v3, v0;
	_ =	sdelay $0x1  }
0x1b9: {  	v4 =	vadd.s32 v1, v4;
	_ =	sdelay $0x3  }
0x1ba: {  	s11 =	simm.s32 $0x9100;
	v3 =	vperm.xlane v3, v2  }
0x1bb: {  	[tilespmem:s11], [sflag:$0x2] =	stream.indirect_vreg.gather [hbm4b:s4+s8], $0x80, v4, vm0, $0xb8;
	[tilespmem:$0x1E100] =	vst v63  }
0x1bc: {  	v3 =	vadd.s32 v1, v3;
	s11 =	simm.s32 $0x9900  }
0x1bd: {  	[tilespmem:s11], [sflag:$0x2] =	stream.indirect_vreg.gather [hbm4b:s16+s8], $0x80, v4, vm0, $0xb8;
	[tilespmem:$0x1E100] =	vst v63  }
0x1be: {  	s11 =	simm.s32 $0xA100  }
0x1bf: {  	[tilespmem:s11], [sflag:$0x2] =	stream.indirect_vreg.gather [hbm4b:s20+s8], $0x80, v4, vm0, $0xb8;
	[tilespmem:$0x1E100] =	vst v63  }
0x1c0: {  	s11 =	simm.s32 $0xA900  }
0x1c1: {  	[tilespmem:s11], [sflag:$0x2] =	stream.indirect_vreg.gather [hbm4b:s4+s8], $0x80, v3, vm0, $0xb8;
	[tilespmem:$0x1E100] =	vst v63  }
0x1c2: {  	s11 =	simm.s32 $0xB100  }
0x1c3: {  	[tilespmem:s11], [sflag:$0x2] =	stream.indirect_vreg.gather [hbm4b:s16+s8], $0x80, v3, vm0, $0xb8;
	[tilespmem:$0x1E100] =	vst v63  }
0x1c4: {  	s11 =	simm.s32 $0xB900  }
0x1c5: {  	[tilespmem:s11], [sflag:$0x2] =	stream.indirect_vreg.gather [hbm4b:s20+s8], $0x80, v3, vm0, $0xb8;
	[tilespmem:$0x1E100] =	vst v63  }
0x1c6: {  	v3 =	vld [tilespmem:$0xC0];
	_ =	sdelay $0x4  }
0x1c7: {  	v60 =	vshrl.u32 v3, $0x3  }
0x1c8: {  	v4 =	vmul.u32 $0x30, v60  }
0x1c9: {  	v3 =	vand.u32 $0x7, v3  }
0x1ca: {  	v3 =	vor.u32 v3, v4  }
0x1cb: {  	v4 =	vperm.xlane v3, v0;
	_ =	sdelay $0x1  }
0x1cc: {  	v4 =	vadd.s32 v1, v4;
	_ =	sdelay $0x3  }
0x1cd: {  	s11 =	simm.s32 $0xC100;
	v3 =	vperm.xlane v3, v2  }
0x1ce: {  	[tilespmem:s11], [sflag:$0x2] =	stream.indirect_vreg.gather [hbm4b:s4+s8], $0x80, v4, vm0, $0xb8;
	[tilespmem:$0x1E100] =	vst v63  }
0x1cf: {  	v3 =	vadd.s32 v1, v3;
	s11 =	simm.s32 $0xC900  }
0x1d0: {  	[tilespmem:s11], [sflag:$0x2] =	stream.indirect_vreg.gather [hbm4b:s16+s8], $0x80, v4, vm0, $0xb8;
	[tilespmem:$0x1E100] =	vst v63  }
0x1d1: {  	s11 =	simm.s32 $0xD100  }
0x1d2: {  	[tilespmem:s11], [sflag:$0x2] =	stream.indirect_vreg.gather [hbm4b:s20+s8], $0x80, v4, vm0, $0xb8;
	[tilespmem:$0x1E100] =	vst v63  }
0x1d3: {  	s11 =	simm.s32 $0xD900  }
0x1d4: {  	[tilespmem:s11], [sflag:$0x2] =	stream.indirect_vreg.gather [hbm4b:s4+s8], $0x80, v3, vm0, $0xb8;
	[tilespmem:$0x1E100] =	vst v63  }
0x1d5: {  	s11 =	simm.s32 $0xE100  }
0x1d6: {  	[tilespmem:s11], [sflag:$0x2] =	stream.indirect_vreg.gather [hbm4b:s16+s8], $0x80, v3, vm0, $0xb8;
	[tilespmem:$0x1E100] =	vst v63  }
0x1d7: {  	s11 =	simm.s32 $0xE900  }
0x1d8: {  	[tilespmem:s11], [sflag:$0x2] =	stream.indirect_vreg.gather [hbm4b:s20+s8], $0x80, v3, vm0, $0xb8;
	[tilespmem:$0x1E100] =	vst v63  }
0x1d9: {  	v3 =	vld [tilespmem:$0xD0];
	_ =	sdelay $0x4  }
0x1da: {  	v61 =	vshrl.u32 v3, $0x3  }
0x1db: {  	v4 =	vmul.u32 $0x30, v61  }
0x1dc: {  	v3 =	vand.u32 $0x7, v3  }
0x1dd: {  	v3 =	vor.u32 v3, v4  }
0x1de: {  	v4 =	vperm.xlane v3, v0;
	_ =	sdelay $0x1  }
0x1df: {  	v4 =	vadd.s32 v1, v4;
	_ =	sdelay $0x3  }
0x1e0: {  	s11 =	simm.s32 $0xF100;
	v3 =	vperm.xlane v3, v2  }
0x1e1: {  	[tilespmem:s11], [sflag:$0x2] =	stream.indirect_vreg.gather [hbm4b:s4+s8], $0x80, v4, vm0, $0xb8;
	[tilespmem:$0x1E100] =	vst v63  }
0x1e2: {  	v3 =	vadd.s32 v1, v3;
	s11 =	simm.s32 $0xF900  }
0x1e3: {  	[tilespmem:s11], [sflag:$0x2] =	stream.indirect_vreg.gather [hbm4b:s16+s8], $0x80, v4, vm0, $0xb8;
	[tilespmem:$0x1E100] =	vst v63  }
0x1e4: {  	s11 =	simm.s32 $0x10100  }
0x1e5: {  	[tilespmem:s11], [sflag:$0x2] =	stream.indirect_vreg.gather [hbm4b:s20+s8], $0x80, v4, vm0, $0xb8;
	[tilespmem:$0x1E100] =	vst v63  }
0x1e6: {  	s11 =	simm.s32 $0x10900  }
0x1e7: {  	[tilespmem:s11], [sflag:$0x2] =	stream.indirect_vreg.gather [hbm4b:s4+s8], $0x80, v3, vm0, $0xb8;
	[tilespmem:$0x1E100] =	vst v63  }
0x1e8: {  	s11 =	simm.s32 $0x11100  }
0x1e9: {  	[tilespmem:s11], [sflag:$0x2] =	stream.indirect_vreg.gather [hbm4b:s16+s8], $0x80, v3, vm0, $0xb8;
	[tilespmem:$0x1E100] =	vst v63  }
0x1ea: {  	s11 =	simm.s32 $0x11900  }
0x1eb: {  	[tilespmem:s11], [sflag:$0x2] =	stream.indirect_vreg.gather [hbm4b:s20+s8], $0x80, v3, vm0, $0xb8;
	[tilespmem:$0x1E100] =	vst v63  }
0x1ec: {  	v3 =	vld [tilespmem:$0xE0];
	_ =	sdelay $0x4  }
0x1ed: {  	v62 =	vshrl.u32 v3, $0x3  }
0x1ee: {  	v4 =	vmul.u32 $0x30, v62  }
0x1ef: {  	v3 =	vand.u32 $0x7, v3  }
0x1f0: {  	v3 =	vor.u32 v3, v4  }
0x1f1: {  	v4 =	vperm.xlane v3, v0;
	_ =	sdelay $0x1  }
0x1f2: {  	v4 =	vadd.s32 v1, v4;
	_ =	sdelay $0x3  }
0x1f3: {  	s11 =	simm.s32 $0x12100;
	v3 =	vperm.xlane v3, v2  }
0x1f4: {  	[tilespmem:s11], [sflag:$0x2] =	stream.indirect_vreg.gather [hbm4b:s4+s8], $0x80, v4, vm0, $0xb8;
	[tilespmem:$0x1E100] =	vst v63  }
0x1f5: {  	v3 =	vadd.s32 v1, v3;
	s11 =	simm.s32 $0x12900  }
0x1f6: {  	[tilespmem:s11], [sflag:$0x2] =	stream.indirect_vreg.gather [hbm4b:s16+s8], $0x80, v4, vm0, $0xb8;
	[tilespmem:$0x1E100] =	vst v63  }
0x1f7: {  	s11 =	simm.s32 $0x13100  }
0x1f8: {  	[tilespmem:s11], [sflag:$0x2] =	stream.indirect_vreg.gather [hbm4b:s20+s8], $0x80, v4, vm0, $0xb8;
	[tilespmem:$0x1E100] =	vst v63  }
0x1f9: {  	s11 =	simm.s32 $0x13900  }
0x1fa: {  	[tilespmem:s11], [sflag:$0x2] =	stream.indirect_vreg.gather [hbm4b:s4+s8], $0x80, v3, vm0, $0xb8;
	[tilespmem:$0x1E100] =	vst v63  }
0x1fb: {  	s11 =	simm.s32 $0x14100  }
0x1fc: {  	[tilespmem:s11], [sflag:$0x2] =	stream.indirect_vreg.gather [hbm4b:s16+s8], $0x80, v3, vm0, $0xb8;
	[tilespmem:$0x1E100] =	vst v63  }
0x1fd: {  	s11 =	simm.s32 $0x14900  }
0x1fe: {  	[tilespmem:s11], [sflag:$0x2] =	stream.indirect_vreg.gather [hbm4b:s20+s8], $0x80, v3, vm0, $0xb8;
	[tilespmem:$0x1E100] =	vst v63  }
0x1ff: {  	v3 =	vld [tilespmem:$0xF0];
	_ =	sdelay $0x4  }
0x200: {  	v63 =	vshrl.u32 v3, $0x3  }
0x201: {  	v4 =	vmul.u32 $0x30, v63  }
0x202: {  	v3 =	vand.u32 $0x7, v3  }
0x203: {  	v3 =	vor.u32 v3, v4  }
0x204: {  	v4 =	vperm.xlane v3, v0;
	_ =	sdelay $0x1  }
0x205: {  	v4 =	vadd.s32 v1, v4;
	_ =	sdelay $0x3  }
0x206: {  	s11 =	simm.s32 $0x15100;
	v3 =	vperm.xlane v3, v2  }
0x207: {  	[tilespmem:s11], [sflag:$0x2] =	stream.indirect_vreg.gather [hbm4b:s4+s8], $0x80, v4, vm0, $0xb8;
	[tilespmem:$0x1E100] =	vst v63  }
0x208: {  	v3 =	vadd.s32 v1, v3;
	s11 =	simm.s32 $0x15900  }
0x209: {  	[tilespmem:s11], [sflag:$0x2] =	stream.indirect_vreg.gather [hbm4b:s16+s8], $0x80, v4, vm0, $0xb8;
	[tilespmem:$0x1E100] =	vst v63  }
0x20a: {  	s11 =	simm.s32 $0x16100  }
0x20b: {  	[tilespmem:s11], [sflag:$0x2] =	stream.indirect_vreg.gather [hbm4b:s20+s8], $0x80, v4, vm0, $0xb8;
	[tilespmem:$0x1E100] =	vst v63  }
0x20c: {  	s11 =	simm.s32 $0x16900  }
0x20d: {  	[tilespmem:s11], [sflag:$0x2] =	stream.indirect_vreg.gather [hbm4b:s4+s8], $0x80, v3, vm0, $0xb8;
	[tilespmem:$0x1E100] =	vst v63  }
0x20e: {  	s11 =	simm.s32 $0x17100  }
0x20f: {  	[tilespmem:s11], [sflag:$0x2] =	stream.indirect_vreg.gather [hbm4b:s16+s8], $0x80, v3, vm0, $0xb8;
	[tilespmem:$0x1E100] =	vst v63  }
0x210: {  	s11 =	simm.s32 $0x17900  }
0x211: {  	[tilespmem:s11], [sflag:$0x2] =	stream.indirect_vreg.gather [hbm4b:s20+s8], $0x80, v3, vm0, $0xb8;
	[tilespmem:$0x1E100] =	vst v63  }
0x212: {  	s10 =	smul.u32 $0x300, s10;
	_ =	swait.ge [sflag:s3], $0x18000  }
0x213: {  	p1 =	por p0, p0;
	[sflag:s3] =	ssyncset.done $0x0  }
.Ltmp2:
0x214: {  	s10 =	sadd.s32 s12, s10;
	[sflag:s3] =	ssyncadd.s32 $0xFFFE8000;
	(pc) =	sbr.rel @p1 .LBB2_6-.Ltmp2, $4  }
0x215: {  	[hbm4b:s10+s8] =	stream.linear.scatter [tilespmem:s30], [sflag:$0x3], $0x18000, $0x38;
	[tilespmem:$0x1E100] =	vst v63  }
0x216: {  	_ =	swait.ge [sflag:s29], $0x18000  }
0x217: {  	[sflag:s29] =	ssyncset.done $0x0  }
0x218: {  	p0 =	por $0x0, $0x0;
	[sflag:s29] =	ssyncadd.s32 $0xFFFE8000  }
0x219: {  	s10 =	rddreg [dreg:$0xd]  }
0x21a: {  	s24 =	simm.s32 $0x0;
	s26 =	rddreg [dreg:$0x11]  }
0x21b: {  	s25 =	simm.s32 $0x1A500;
	s28 =	simm.s32 $0x1AD00;
	s31 =	simm.s32 $0x1B100  }
0x21c: {  	s30 =	simm.s32 $0x1B900;
	s15 =	simm.s32 $0x1BD00;
	s3 =	simm.s32 $0x18100  }
0x21d: {  	s19 =	simm.s32 $0x1C500;
	s0 =	simm.s32 $0x1;
	s9 =	simm.s32 $0x1C900  }
0x21e: {  	s12 =	simm.s32 $0x1D100;
	s17 =	simm.s32 $0x1D500;
	s18 =	simm.s32 $0x1DD00  }
.LBB2_8:
0x21f: {  	s11 =	sadd.s32 s24, s26  }
0x220: {  	[tilespmem:s8], [sflag:$0x3] =	stream.linear.gather [hbm4b:s11+s8], $0x40, $0x38;
	[tilespmem:$0x1E100] =	vst v63  }
0x221: {  	_ =	swait.ge [sflag:s29], $0x40  }
0x222: {  	[sflag:s29] =	ssyncset.done $0x0  }
0x223: {  	[sflag:s29] =	ssyncadd.s32 $0xFFFFFFC0  }
0x224: {  	v3 =	vld [tilespmem:$0x0];
	_ =	sdelay $0x4  }
0x225: {  	v4 =	vshrl.u32 v3, $0x3  }
0x226: {  	v4 =	vmul.u32 $0x18, v4  }
0x227: {  	v3 =	vand.u32 $0x7, v3  }
0x228: {  	v3 =	vor.u32 v3, v4  }
0x229: {  	v4 =	vperm.xlane v3, v0;
	_ =	sdelay $0x1  }
0x22a: {  	v4 =	vadd.s32 v1, v4;
	_ =	sdelay $0x1  }
0x22b: {  	v3 =	vperm.xlane v3, v2;
	_ =	sdelay $0x1  }
0x22c: {  	v3 =	vadd.s32 v1, v3  }
0x22d: {  	[tilespmem:s3], [sflag:$0x1] =	stream.indirect_vreg.gather [hbm4b:s5+s8], $0x80, v4, vm0, $0xb8;
	[tilespmem:$0x1E100] =	vst v63  }
0x22e: {  	s11 =	simm.s32 $0x18900  }
0x22f: {  	[tilespmem:s11], [sflag:$0x1] =	stream.indirect_vreg.gather [hbm4b:s21+s8], $0x80, v4, vm1, $0xb8;
	[tilespmem:$0x1E100] =	vst v63  }
0x230: {  	s11 =	simm.s32 $0x18D00  }
0x231: {  	[tilespmem:s11], [sflag:$0x1] =	stream.indirect_vreg.gather [hbm4b:s5+s8], $0x80, v3, vm0, $0xb8;
	[tilespmem:$0x1E100] =	vst v63  }
0x232: {  	s11 =	simm.s32 $0x19500  }
0x233: {  	[tilespmem:s11], [sflag:$0x1] =	stream.indirect_vreg.gather [hbm4b:s21+s8], $0x80, v3, vm1, $0xb8;
	[tilespmem:$0x1E100] =	vst v63  }
0x234: {  	v3 =	vld [tilespmem:$0x10];
	_ =	sdelay $0x4  }
0x235: {  	v61 =	vshrl.u32 v3, $0x3  }
0x236: {  	v4 =	vmul.u32 $0x18, v61  }
0x237: {  	v3 =	vand.u32 $0x7, v3  }
0x238: {  	v3 =	vor.u32 v3, v4  }
0x239: {  	v4 =	vperm.xlane v3, v0;
	_ =	sdelay $0x1  }
0x23a: {  	v4 =	vadd.s32 v1, v4;
	_ =	sdelay $0x1  }
0x23b: {  	v3 =	vperm.xlane v3, v2;
	_ =	sdelay $0x1  }
0x23c: {  	s11 =	simm.s32 $0x19900;
	v3 =	vadd.s32 v1, v3  }
0x23d: {  	[tilespmem:s11], [sflag:$0x1] =	stream.indirect_vreg.gather [hbm4b:s5+s8], $0x80, v4, vm0, $0xb8;
	[tilespmem:$0x1E100] =	vst v63  }
0x23e: {  	s11 =	simm.s32 $0x1A100  }
0x23f: {  	[tilespmem:s11], [sflag:$0x1] =	stream.indirect_vreg.gather [hbm4b:s21+s8], $0x80, v4, vm1, $0xb8;
	[tilespmem:$0x1E100] =	vst v63  }
0x240: {  	_ = 	snop  }
0x241: {  	[tilespmem:s25], [sflag:$0x1] =	stream.indirect_vreg.gather [hbm4b:s5+s8], $0x80, v3, vm0, $0xb8;
	[tilespmem:$0x1E100] =	vst v63  }
0x242: {  	_ = 	snop  }
0x243: {  	[tilespmem:s28], [sflag:$0x1] =	stream.indirect_vreg.gather [hbm4b:s21+s8], $0x80, v3, vm1, $0xb8;
	[tilespmem:$0x1E100] =	vst v63  }
0x244: {  	v3 =	vld [tilespmem:$0x20];
	_ =	sdelay $0x4  }
0x245: {  	v62 =	vshrl.u32 v3, $0x3  }
0x246: {  	v4 =	vmul.u32 $0x18, v62  }
0x247: {  	v3 =	vand.u32 $0x7, v3  }
0x248: {  	v3 =	vor.u32 v3, v4  }
0x249: {  	v4 =	vperm.xlane v3, v0;
	_ =	sdelay $0x1  }
0x24a: {  	v4 =	vadd.s32 v1, v4;
	_ =	sdelay $0x1  }
0x24b: {  	v3 =	vperm.xlane v3, v2;
	_ =	sdelay $0x1  }
0x24c: {  	v3 =	vadd.s32 v1, v3  }
0x24d: {  	[tilespmem:s31], [sflag:$0x1] =	stream.indirect_vreg.gather [hbm4b:s5+s8], $0x80, v4, vm0, $0xb8;
	[tilespmem:$0x1E100] =	vst v63  }
0x24e: {  	_ = 	snop  }
0x24f: {  	[tilespmem:s30], [sflag:$0x1] =	stream.indirect_vreg.gather [hbm4b:s21+s8], $0x80, v4, vm1, $0xb8;
	[tilespmem:$0x1E100] =	vst v63  }
0x250: {  	_ = 	snop  }
0x251: {  	[tilespmem:s15], [sflag:$0x1] =	stream.indirect_vreg.gather [hbm4b:s5+s8], $0x80, v3, vm0, $0xb8;
	[tilespmem:$0x1E100] =	vst v63  }
0x252: {  	_ = 	snop  }
0x253: {  	[tilespmem:s19], [sflag:$0x1] =	stream.indirect_vreg.gather [hbm4b:s21+s8], $0x80, v3, vm1, $0xb8;
	[tilespmem:$0x1E100] =	vst v63  }
0x254: {  	v3 =	vld [tilespmem:$0x30];
	_ =	sdelay $0x4  }
0x255: {  	v63 =	vshrl.u32 v3, $0x3  }
0x256: {  	v4 =	vmul.u32 $0x18, v63  }
0x257: {  	v3 =	vand.u32 $0x7, v3  }
0x258: {  	v3 =	vor.u32 v3, v4  }
0x259: {  	v4 =	vperm.xlane v3, v0;
	_ =	sdelay $0x1  }
0x25a: {  	v4 =	vadd.s32 v1, v4;
	_ =	sdelay $0x1  }
0x25b: {  	v3 =	vperm.xlane v3, v2;
	_ =	sdelay $0x1  }
0x25c: {  	v3 =	vadd.s32 v1, v3  }
0x25d: {  	[tilespmem:s9], [sflag:$0x1] =	stream.indirect_vreg.gather [hbm4b:s5+s8], $0x80, v4, vm0, $0xb8;
	[tilespmem:$0x1E100] =	vst v63  }
0x25e: {  	_ = 	snop  }
0x25f: {  	[tilespmem:s12], [sflag:$0x1] =	stream.indirect_vreg.gather [hbm4b:s21+s8], $0x80, v4, vm1, $0xb8;
	[tilespmem:$0x1E100] =	vst v63  }
0x260: {  	_ = 	snop  }
0x261: {  	[tilespmem:s17], [sflag:$0x1] =	stream.indirect_vreg.gather [hbm4b:s5+s8], $0x80, v3, vm0, $0xb8;
	[tilespmem:$0x1E100] =	vst v63  }
0x262: {  	_ = 	snop  }
0x263: {  	[tilespmem:s18], [sflag:$0x1] =	stream.indirect_vreg.gather [hbm4b:s21+s8], $0x80, v3, vm1, $0xb8;
	[tilespmem:$0x1E100] =	vst v63  }
0x264: {  	_ =	swait.ge [sflag:s0], $0x6000  }
0x265: {  	p0 =	sne.s32 s24, $0x38;
	[sflag:s0] =	ssyncset.done $0x0  }
.Ltmp3:
0x266: {  	[sflag:s0] =	ssyncadd.s32 $0xFFFFA000;
	(pc) =	sbr.rel @p0 .LBB2_8-.Ltmp3, $4  }
0x267: {  	[hbm4b:s10+s8] =	stream.linear.scatter [tilespmem:s3], [sflag:$0x3], $0x6000, $0x38;
	[tilespmem:$0x1E100] =	vst v63  }
0x268: {  	_ =	swait.ge [sflag:s29], $0x6000  }
0x269: {  	[sflag:s29] =	ssyncset.done $0x0  }
0x26a: {  	s24 =	sadd.s32 $0x8, s24;
	s10 =	sadd.s32 $0xC00, s10;
	[sflag:s29] =	ssyncadd.s32 $0xFFFFA000  }
0x26b: {  	s24 =	rddreg [dreg:$0xe]  }
0x26c: {  	s17 =	rddreg [dreg:$0x12];
	s0 =	simm.s32 $0x1A500;
	s25 =	simm.s32 $0x18D00  }
0x26d: {  	s9 =	simm.s32 $0x18900;
	s12 =	simm.s32 $0x19500;
	s28 =	simm.s32 $0x19900  }
0x26e: {  	s31 =	simm.s32 $0x1A100;
	s26 =	simm.s32 $0x1B900;
	s15 =	simm.s32 $0x1BD00  }
0x26f: {  	s30 =	simm.s32 $0x18100;
	s3 =	simm.s32 $0x1C500;
	s19 =	simm.s32 $0x1  }
.LBB2_10:
0x270: {  	s11 =	sadd.s32 s8, s17;
	s10 =	simm.s32 $0x0  }
0x271: {  	[tilespmem:s10], [sflag:$0x3] =	stream.linear.gather [hbm4b:s11+s10], $0x40, $0x38;
	[tilespmem:$0x1E100] =	vst v63  }
0x272: {  	_ =	swait.ge [sflag:s29], $0x40  }
0x273: {  	[sflag:s29] =	ssyncset.done $0x0  }
0x274: {  	[sflag:s29] =	ssyncadd.s32 $0xFFFFFFC0  }
0x275: {  	v3 =	vld [tilespmem:$0x0];
	_ =	sdelay $0x4  }
0x276: {  	v4 =	vshrl.u32 v3, $0x3  }
0x277: {  	v4 =	vmul.u32 $0x18, v4  }
0x278: {  	v3 =	vand.u32 $0x7, v3  }
0x279: {  	v3 =	vor.u32 v3, v4  }
0x27a: {  	v4 =	vperm.xlane v3, v0;
	_ =	sdelay $0x1  }
0x27b: {  	v4 =	vadd.s32 v1, v4;
	_ =	sdelay $0x1  }
0x27c: {  	v3 =	vperm.xlane v3, v2;
	_ =	sdelay $0x1  }
0x27d: {  	v3 =	vadd.s32 v1, v3  }
0x27e: {  	[tilespmem:s30], [sflag:$0x1] =	stream.indirect_vreg.gather [hbm4b:s6+s10], $0x80, v4, vm0, $0xb8;
	[tilespmem:$0x1E100] =	vst v63  }
0x27f: {  	_ = 	snop  }
0x280: {  	[tilespmem:s9], [sflag:$0x1] =	stream.indirect_vreg.gather [hbm4b:s22+s10], $0x80, v4, vm1, $0xb8;
	[tilespmem:$0x1E100] =	vst v63  }
0x281: {  	_ = 	snop  }
0x282: {  	[tilespmem:s25], [sflag:$0x1] =	stream.indirect_vreg.gather [hbm4b:s6+s10], $0x80, v3, vm0, $0xb8;
	[tilespmem:$0x1E100] =	vst v63  }
0x283: {  	_ = 	snop  }
0x284: {  	[tilespmem:s12], [sflag:$0x1] =	stream.indirect_vreg.gather [hbm4b:s22+s10], $0x80, v3, vm1, $0xb8;
	[tilespmem:$0x1E100] =	vst v63  }
0x285: {  	v3 =	vld [tilespmem:$0x10];
	_ =	sdelay $0x4  }
0x286: {  	v61 =	vshrl.u32 v3, $0x3  }
0x287: {  	v4 =	vmul.u32 $0x18, v61  }
0x288: {  	v3 =	vand.u32 $0x7, v3  }
0x289: {  	v3 =	vor.u32 v3, v4  }
0x28a: {  	v4 =	vperm.xlane v3, v0;
	_ =	sdelay $0x1  }
0x28b: {  	v4 =	vadd.s32 v1, v4;
	_ =	sdelay $0x1  }
0x28c: {  	v3 =	vperm.xlane v3, v2;
	_ =	sdelay $0x1  }
0x28d: {  	v3 =	vadd.s32 v1, v3  }
0x28e: {  	[tilespmem:s28], [sflag:$0x1] =	stream.indirect_vreg.gather [hbm4b:s6+s10], $0x80, v4, vm0, $0xb8;
	[tilespmem:$0x1E100] =	vst v63  }
0x28f: {  	_ = 	snop  }
0x290: {  	[tilespmem:s31], [sflag:$0x1] =	stream.indirect_vreg.gather [hbm4b:s22+s10], $0x80, v4, vm1, $0xb8;
	[tilespmem:$0x1E100] =	vst v63  }
0x291: {  	_ = 	snop  }
0x292: {  	[tilespmem:s0], [sflag:$0x1] =	stream.indirect_vreg.gather [hbm4b:s6+s10], $0x80, v3, vm0, $0xb8;
	[tilespmem:$0x1E100] =	vst v63  }
0x293: {  	s18 =	simm.s32 $0x1AD00  }
0x294: {  	[tilespmem:s18], [sflag:$0x1] =	stream.indirect_vreg.gather [hbm4b:s22+s10], $0x80, v3, vm1, $0xb8;
	[tilespmem:$0x1E100] =	vst v63  }
0x295: {  	v3 =	vld [tilespmem:$0x20];
	_ =	sdelay $0x4  }
0x296: {  	v62 =	vshrl.u32 v3, $0x3  }
0x297: {  	v4 =	vmul.u32 $0x18, v62  }
0x298: {  	v3 =	vand.u32 $0x7, v3  }
0x299: {  	v3 =	vor.u32 v3, v4  }
0x29a: {  	v4 =	vperm.xlane v3, v0;
	_ =	sdelay $0x1  }
0x29b: {  	v4 =	vadd.s32 v1, v4;
	_ =	sdelay $0x1  }
0x29c: {  	v3 =	vperm.xlane v3, v2;
	_ =	sdelay $0x1  }
0x29d: {  	s18 =	simm.s32 $0x1B100;
	v3 =	vadd.s32 v1, v3  }
0x29e: {  	[tilespmem:s18], [sflag:$0x1] =	stream.indirect_vreg.gather [hbm4b:s6+s10], $0x80, v4, vm0, $0xb8;
	[tilespmem:$0x1E100] =	vst v63  }
0x29f: {  	_ = 	snop  }
0x2a0: {  	[tilespmem:s26], [sflag:$0x1] =	stream.indirect_vreg.gather [hbm4b:s22+s10], $0x80, v4, vm1, $0xb8;
	[tilespmem:$0x1E100] =	vst v63  }
0x2a1: {  	_ = 	snop  }
0x2a2: {  	[tilespmem:s15], [sflag:$0x1] =	stream.indirect_vreg.gather [hbm4b:s6+s10], $0x80, v3, vm0, $0xb8;
	[tilespmem:$0x1E100] =	vst v63  }
0x2a3: {  	_ = 	snop  }
0x2a4: {  	[tilespmem:s3], [sflag:$0x1] =	stream.indirect_vreg.gather [hbm4b:s22+s10], $0x80, v3, vm1, $0xb8;
	[tilespmem:$0x1E100] =	vst v63  }
0x2a5: {  	v3 =	vld [tilespmem:$0x30];
	_ =	sdelay $0x4  }
0x2a6: {  	v63 =	vshrl.u32 v3, $0x3  }
0x2a7: {  	v4 =	vmul.u32 $0x18, v63  }
0x2a8: {  	v3 =	vand.u32 $0x7, v3  }
0x2a9: {  	v3 =	vor.u32 v3, v4  }
0x2aa: {  	v4 =	vperm.xlane v3, v0;
	_ =	sdelay $0x1  }
0x2ab: {  	v4 =	vadd.s32 v1, v4;
	_ =	sdelay $0x1  }
0x2ac: {  	v3 =	vperm.xlane v3, v2;
	_ =	sdelay $0x1  }
0x2ad: {  	s11 =	simm.s32 $0x1C900;
	v3 =	vadd.s32 v1, v3  }
0x2ae: {  	[tilespmem:s11], [sflag:$0x1] =	stream.indirect_vreg.gather [hbm4b:s6+s10], $0x80, v4, vm0, $0xb8;
	[tilespmem:$0x1E100] =	vst v63  }
0x2af: {  	s18 =	simm.s32 $0x1D100  }
0x2b0: {  	[tilespmem:s18], [sflag:$0x1] =	stream.indirect_vreg.gather [hbm4b:s22+s10], $0x80, v4, vm1, $0xb8;
	[tilespmem:$0x1E100] =	vst v63  }
0x2b1: {  	s18 =	simm.s32 $0x1D500  }
0x2b2: {  	[tilespmem:s18], [sflag:$0x1] =	stream.indirect_vreg.gather [hbm4b:s6+s10], $0x80, v3, vm0, $0xb8;
	[tilespmem:$0x1E100] =	vst v63  }
0x2b3: {  	s18 =	simm.s32 $0x1DD00  }
0x2b4: {  	[tilespmem:s18], [sflag:$0x1] =	stream.indirect_vreg.gather [hbm4b:s22+s10], $0x80, v3, vm1, $0xb8;
	[tilespmem:$0x1E100] =	vst v63  }
0x2b5: {  	_ =	swait.ge [sflag:s19], $0x6000  }
0x2b6: {  	p0 =	sne.s32 s8, $0x18;
	[sflag:s19] =	ssyncset.done $0x0  }
.Ltmp4:
0x2b7: {  	[sflag:s19] =	ssyncadd.s32 $0xFFFFA000;
	(pc) =	sbr.rel @p0 .LBB2_10-.Ltmp4, $4  }
0x2b8: {  	[hbm4b:s24+s10] =	stream.linear.scatter [tilespmem:s30], [sflag:$0x3], $0x6000, $0x38;
	[tilespmem:$0x1E100] =	vst v63  }
0x2b9: {  	_ =	swait.ge [sflag:s29], $0x6000  }
0x2ba: {  	[sflag:s29] =	ssyncset.done $0x0  }
0x2bb: {  	s8 =	sadd.s32 $0x8, s8;
	s24 =	sadd.s32 $0xC00, s24;
	[sflag:s29] =	ssyncadd.s32 $0xFFFFA000  }
0x2bc: {  	s8 =	rddreg [dreg:$0xf]  }
0x2bd: {  	s24 =	rddreg [dreg:$0x13];
	s15 =	simm.s32 $0x1BD00;
	s17 =	simm.s32 $0x18100  }
0x2be: {  	s30 =	simm.s32 $0x100;
	s18 =	simm.s32 $0x1C500;
	s3 =	simm.s32 $0x2  }
.LBB2_12:
0x2bf: {  	s11 =	sadd.s32 s10, s24  }
0x2c0: {  	[tilespmem:s1], [sflag:$0x3] =	stream.linear.gather [hbm4b:s11+s1], $0x40, $0x38;
	[tilespmem:$0x1E100] =	vst v63  }
0x2c1: {  	_ =	swait.ge [sflag:s29], $0x40  }
0x2c2: {  	[sflag:s29] =	ssyncset.done $0x0  }
0x2c3: {  	[sflag:s29] =	ssyncadd.s32 $0xFFFFFFC0  }
0x2c4: {  	v3 =	vld [tilespmem:$0x0];
	_ =	sdelay $0x4  }
0x2c5: {  	v4 =	vshrl.u32 v3, $0x3  }
0x2c6: {  	v4 =	vmul.u32 $0x18, v4  }
0x2c7: {  	v3 =	vand.u32 $0x7, v3  }
0x2c8: {  	v3 =	vor.u32 v3, v4  }
0x2c9: {  	v4 =	vperm.xlane v3, v0;
	_ =	sdelay $0x1  }
0x2ca: {  	v4 =	vadd.s32 v1, v4;
	_ =	sdelay $0x1  }
0x2cb: {  	v3 =	vperm.xlane v3, v2;
	_ =	sdelay $0x1  }
0x2cc: {  	v3 =	vadd.s32 v1, v3  }
0x2cd: {  	[tilespmem:s17], [sflag:$0x1] =	stream.indirect_vreg.gather [hbm4b:s7+s1], $0x80, v4, vm0, $0xb8;
	[tilespmem:$0x1E100] =	vst v63  }
0x2ce: {  	_ = 	snop  }
0x2cf: {  	[tilespmem:s9], [sflag:$0x1] =	stream.indirect_vreg.gather [hbm4b:s23+s1], $0x80, v4, vm1, $0xb8;
	[tilespmem:$0x1E100] =	vst v63  }
0x2d0: {  	_ = 	snop  }
0x2d1: {  	[tilespmem:s25], [sflag:$0x1] =	stream.indirect_vreg.gather [hbm4b:s7+s1], $0x80, v3, vm0, $0xb8;
	[tilespmem:$0x1E100] =	vst v63  }
0x2d2: {  	_ = 	snop  }
0x2d3: {  	[tilespmem:s12], [sflag:$0x1] =	stream.indirect_vreg.gather [hbm4b:s23+s1], $0x80, v3, vm1, $0xb8;
	[tilespmem:$0x1E100] =	vst v63  }
0x2d4: {  	v3 =	vld [tilespmem:$0x10];
	_ =	sdelay $0x4  }
0x2d5: {  	v61 =	vshrl.u32 v3, $0x3  }
0x2d6: {  	v4 =	vmul.u32 $0x18, v61  }
0x2d7: {  	v3 =	vand.u32 $0x7, v3  }
0x2d8: {  	v3 =	vor.u32 v3, v4  }
0x2d9: {  	v4 =	vperm.xlane v3, v0;
	_ =	sdelay $0x1  }
0x2da: {  	v4 =	vadd.s32 v1, v4;
	_ =	sdelay $0x1  }
0x2db: {  	v3 =	vperm.xlane v3, v2;
	_ =	sdelay $0x1  }
0x2dc: {  	v3 =	vadd.s32 v1, v3  }
0x2dd: {  	[tilespmem:s28], [sflag:$0x1] =	stream.indirect_vreg.gather [hbm4b:s7+s1], $0x80, v4, vm0, $0xb8;
	[tilespmem:$0x1E100] =	vst v63  }
0x2de: {  	_ = 	snop  }
0x2df: {  	[tilespmem:s31], [sflag:$0x1] =	stream.indirect_vreg.gather [hbm4b:s23+s1], $0x80, v4, vm1, $0xb8;
	[tilespmem:$0x1E100] =	vst v63  }
0x2e0: {  	_ = 	snop  }
0x2e1: {  	[tilespmem:s0], [sflag:$0x1] =	stream.indirect_vreg.gather [hbm4b:s7+s1], $0x80, v3, vm0, $0xb8;
	[tilespmem:$0x1E100] =	vst v63  }
0x2e2: {  	s26 =	simm.s32 $0x1AD00  }
0x2e3: {  	[tilespmem:s26], [sflag:$0x1] =	stream.indirect_vreg.gather [hbm4b:s23+s1], $0x80, v3, vm1, $0xb8;
	[tilespmem:$0x1E100] =	vst v63  }
0x2e4: {  	v3 =	vld [tilespmem:$0x20];
	_ =	sdelay $0x4  }
0x2e5: {  	v62 =	vshrl.u32 v3, $0x3  }
0x2e6: {  	v4 =	vmul.u32 $0x18, v62  }
0x2e7: {  	v3 =	vand.u32 $0x7, v3  }
0x2e8: {  	v3 =	vor.u32 v3, v4  }
0x2e9: {  	v4 =	vperm.xlane v3, v0;
	_ =	sdelay $0x1  }
0x2ea: {  	v4 =	vadd.s32 v1, v4;
	_ =	sdelay $0x1  }
0x2eb: {  	v3 =	vperm.xlane v3, v2;
	_ =	sdelay $0x1  }
0x2ec: {  	s26 =	simm.s32 $0x1B100;
	v3 =	vadd.s32 v1, v3  }
0x2ed: {  	[tilespmem:s26], [sflag:$0x1] =	stream.indirect_vreg.gather [hbm4b:s7+s1], $0x80, v4, vm0, $0xb8;
	[tilespmem:$0x1E100] =	vst v63  }
0x2ee: {  	s26 =	simm.s32 $0x1B900  }
0x2ef: {  	[tilespmem:s26], [sflag:$0x1] =	stream.indirect_vreg.gather [hbm4b:s23+s1], $0x80, v4, vm1, $0xb8;
	[tilespmem:$0x1E100] =	vst v63  }
0x2f0: {  	_ = 	snop  }
0x2f1: {  	[tilespmem:s15], [sflag:$0x1] =	stream.indirect_vreg.gather [hbm4b:s7+s1], $0x80, v3, vm0, $0xb8;
	[tilespmem:$0x1E100] =	vst v63  }
0x2f2: {  	_ = 	snop  }
0x2f3: {  	[tilespmem:s18], [sflag:$0x1] =	stream.indirect_vreg.gather [hbm4b:s23+s1], $0x80, v3, vm1, $0xb8;
	[tilespmem:$0x1E100] =	vst v63  }
0x2f4: {  	v3 =	vld [tilespmem:$0x30];
	_ =	sdelay $0x4  }
0x2f5: {  	v63 =	vshrl.u32 v3, $0x3  }
0x2f6: {  	v4 =	vmul.u32 $0x18, v63  }
0x2f7: {  	v3 =	vand.u32 $0x7, v3  }
0x2f8: {  	v3 =	vor.u32 v3, v4  }
0x2f9: {  	v4 =	vperm.xlane v3, v0;
	_ =	sdelay $0x1  }
0x2fa: {  	v4 =	vadd.s32 v1, v4;
	_ =	sdelay $0x1  }
0x2fb: {  	v3 =	vperm.xlane v3, v2;
	_ =	sdelay $0x1  }
0x2fc: {  	s11 =	simm.s32 $0x1C900;
	v3 =	vadd.s32 v1, v3  }
0x2fd: {  	[tilespmem:s11], [sflag:$0x1] =	stream.indirect_vreg.gather [hbm4b:s7+s1], $0x80, v4, vm0, $0xb8;
	[tilespmem:$0x1E100] =	vst v63  }
0x2fe: {  	s26 =	simm.s32 $0x1D100  }
0x2ff: {  	[tilespmem:s26], [sflag:$0x1] =	stream.indirect_vreg.gather [hbm4b:s23+s1], $0x80, v4, vm1, $0xb8;
	[tilespmem:$0x1E100] =	vst v63  }
0x300: {  	s26 =	simm.s32 $0x1D500  }
0x301: {  	[tilespmem:s26], [sflag:$0x1] =	stream.indirect_vreg.gather [hbm4b:s7+s1], $0x80, v3, vm0, $0xb8;
	[tilespmem:$0x1E100] =	vst v63  }
0x302: {  	s26 =	simm.s32 $0x1DD00  }
0x303: {  	[tilespmem:s26], [sflag:$0x1] =	stream.indirect_vreg.gather [hbm4b:s23+s1], $0x80, v3, vm1, $0xb8;
	[tilespmem:$0x1E100] =	vst v63  }
0x304: {  	_ =	swait.ge [sflag:s19], $0x6000  }
0x305: {  	p0 =	sne.s32 s10, $0x18;
	[sflag:s19] =	ssyncset.done $0x0  }
.Ltmp5:
0x306: {  	[sflag:s19] =	ssyncadd.s32 $0xFFFFA000;
	(pc) =	sbr.rel @p0 .LBB2_12-.Ltmp5, $4  }
0x307: {  	[hbm4b:s8+s1] =	stream.linear.scatter [tilespmem:s17], [sflag:$0x3], $0x6000, $0x38;
	[tilespmem:$0x1E100] =	vst v63  }
0x308: {  	_ =	swait.ge [sflag:s29], $0x6000  }
0x309: {  	[sflag:s29] =	ssyncset.done $0x0  }
0x30a: {  	s10 =	sadd.s32 $0x8, s10;
	s8 =	sadd.s32 $0xC00, s8;
	[sflag:s29] =	ssyncadd.s32 $0xFFFFA000  }
0x30b: {  	s0 =	rddreg [dreg:$0x15]  }
0x30c: {  	s8 =	rddreg [dreg:$0x10];
	s0 =	sadd.s32 $0x1, s0  }
0x30d: {  	p0 =	sne.s32 s0, s8  }
.Ltmp6:
0x30e: {  	_ = 	snop;
	(pc) =	sbr.rel @p0 .LBB2_1-.Ltmp6, $3  }
0x30f: {  	_ =	sdelay $0x1  }
0x310: {  	s17 =	simm.s32 $0x1900;
	s18 =	simm.s32 $0x2100;
	s19 =	simm.s32 $0x2900  }
0x311: {  	s26 =	simm.s32 $0x3100;
	s28 =	simm.s32 $0x3900;
	s31 =	simm.s32 $0x1100  }
0x312: {  	_ =	sfence.sel $0x180000  }
0x313: {  	[bflag:$0x0] =	sbarrier.arrive $0xFFFF  }
0x314: {  	_ =	strace $0x9000004D  }
0x315: {  	s0 =	stileid.u32;
	[bflag:$0x2] =	sbarrier.arrive $0xFFFF  }
0x316: {  	p0 =	sne.s32 s0, $0x0;
	s0 =	rddreg [dreg:$0x5]  }
0x317: {  	s0 =	sadd.s32 @!p0 $0x100000, s0  }
0x318: {  	[sflag:s0] =	ssyncadd.tile.s32 @!p0 $0x1;
	_ =	shalt  }
.Lfunc_end2:
_tile_overlayer_lowered:
.L_overlay_start_2:
0x319: {  	(tag) =	ssettag $0x2  }
0x31a: {  	s0 =	rddreg [dreg:$0x0];
	s2 =	stileid.u32  }
0x31b: {  	s1 =	rddreg [dreg:$0x1];
	p0 =	sne.s32 s2, $0x0  }
0x31c: {  	s3 =	rddreg [dreg:$0x2];
	[bflag:$0x3] =	sbarrier.arrive $0xFFFF;
	s2 =	simm.s32 @!p0 $0x1C03  }
0x31d: {  	[timem:s3], [sflag:s2] =	dma.local @!p0 [hbm:s0], s1  }
0x31e: {  	s0 =	simm.s32 @!p0 $0x3  }
0x31f: {  	_ =	swait.ge @!p0 [sflag:s0], s1  }
0x320: {  	s1 =	ssub.s32 @!p0 $0x0, s1;
	[sflag:s0] =	ssyncset.done @!p0 $0x0  }
0x321: {  	[sflag:s0] =	ssyncadd.s32 @!p0 s1  }
0x322: {  	[bflag:$0x3] =	sbarrier.arrive $0xFFFF  }
0x323: {  	_ =	shalt  }

// kernel: sparse-core-data-format-call.1.cloned.1.call-start
scs
called_computation.1_lowered:
.L_overlay_start_0:
0x0: {  	s1 =	sld [smem:$0x3FD9]  }
0x1: {  	s2 =	sld [smem:$0x3FFE];
	_ =	sdelay $0x1  }
0x2: {  	s3 =	srdreg.scid  }
0x3: {  	s0 =	sand.u32 $0x1, s3  }
0x4: {  	s17 =	sshll.u32 s0, $0xA;
	s1 =	sadd.s32 s2, s1  }
0x5: {  	s1 =	sadd.s32 s1, s17  }
0x6: {  	[smem:$0x3FBE] =	sst s1  }
0x7: {  	_ = 	snop  }
0x8: {  	(tm) =	ssettm $0x1  }
0x9: {  	s18 =	sld [smem:$0x3FFB];
	_ =	sdelay $0x3  }
0xa: {  	_ =	strace s18  }
0xb: {  	s1 =	sld [smem:$0x3FFC];
	_ =	sdelay $0x3  }
0xc: {  	_ =	strace s1  }
0xd: {  	s1 =	sld [smem:$0x3FFD];
	_ =	sdelay $0x3  }
0xe: {  	_ =	strace s1  }
0xf: {  	_ =	strace $0x8FFFFFFF  }
0x10: {  	s19 =	sld [smem:$0x3FDB];
	_ =	sdelay $0x1  }
0x11: {  	s20 =	simm.s32 $_scs_section_size  }
0x12: {  	s4 =	simm.s32 $_size__tile_overlayer_lowered;
	s5 =	simm.s32 $_tile_overlayer_lowered  }
0x13: {  	s23 =	simm.s32 $0x1BFF;
	s22 =	sshll.u32 s5, $0x1;
	s1 =	sadd.s32 s20, s19  }
0x14: {  	s6 =	simm.s32 $0x0;
	s21 =	sshll.u32 s4, $0x1;
	s4 =	sadd.s32 s22, s1  }
0x15: {  	[timem:s6], [sflag:s23] =	dma.local [hbm:s4], s21  }
0x16: {  	_ =	swait.ge [sflag:s23], s21  }
0x17: {  	s2 =	ssub.s32 $0x0, s21;
	[sflag:s23] =	ssyncset.done $0x0  }
0x18: {  	[sflag:s23] =	ssyncadd.s32 s2;
	_ =	sdelay $0x1  }
0x19: {  	s24 =	simm.s32 $0x1B8B  }
0x1a: {  	_ =	swait.ge [sflag:s24], $0x1  }
0x1b: {  	[sflag:s24] =	ssyncset.done $0x0  }
0x1c: {  	s26 =	simm.s32 $0x1B8E;
	s25 =	sld [smem:$0x3FFE];
	[sflag:s24] =	ssyncadd.s32 $0xFFFFFFFF  }
0x1d: {  	s27 =	simm.s32 $execute0_lowered;
	[smem:$0x3FD2] =	sst s26  }
0x1e: {  	s4 =	sshll.u32 s27, $0x1;
	_ =	strace $0x80000046;
	[dreg:$0x1] =	wrdreg $0xFFFFFFFF  }
0x1f: {  	s28 =	simm.s32 $_size_execute0_lowered;
	s1 =	sadd.s32 s1, s4;
	[dreg:$0x0] =	wrdreg $0x0  }
0x20: {  	s4 =	sshll.u32 s28, $0x1;
	[dreg:$0x2] =	wrdreg s1  }
0x21: {  	[dreg:$0x3] =	wrdreg s4  }
0x22: {  	[dreg:$0x4] =	wrdreg $0xC0  }
0x23: {  	_ =	task [dreg:s6], $0x5FFFF  }
0x24: {  	[dreg:$0x1] =	wrdreg $0xFFFFFFFF  }
0x25: {  	[dreg:$0x0] =	wrdreg $0x60  }
0x26: {  	[dreg:$0x2] =	wrdreg s25  }
0x27: {  	[dreg:$0x3] =	wrdreg $0xA  }
0x28: {  	_ =	task.clear_ibuf [dreg:s6], $0x4FFFF;
	_ =	strace $0x90000046  }
0x29: {  	s29 =	simm.s32 $0xA;
	_ =	strace $0x80000048  }
0x2a: {  	_ =	swait.ge [sflag:s29], $0x1  }
0x2b: {  	[sflag:s29] =	ssyncadd.s32 $0xFFFFFFFF  }
0x2c: {  	_ =	strace $0x90000048  }
0x2d: {  	_ =	sfence  }
0x2e: {  	s30 =	sld [smem:$0x0];
	_ =	sdelay $0x2  }
0x2f: {  	s31 =	sshll.u32 s3, $0xD;
	s3 =	sshrl.u32 s3, $0x2  }
0x30: {  	s2 =	sand.u32 $0x4000, s31;
	s1 =	sadd.s32 s3, s30  }
0x31: {  	s0 =	sor.u32 s2, s0;
	s1 =	sshll.u32 s1, $0x11  }
0x32: {  	s0 =	sor.u32 s1, s0  }
0x33: {  	s0 =	sadd.s32 $0x8F2B, s0  }
0x34: {  	[sflag:s0] =	ssyncadd.remote.s32 $0x1  }
0x35: {  	_ =	sfence.sel $0xFFFF  }
0x36: {  	[dreg:$0x0] =	wrdreg $0xFFFFFFFF;
	(pc) =	sbr.abs _section_cstart, $3  }
0x37: {  	[dreg:$0x1] =	wrdreg $0xFFFFFFFF  }
0x38: {  	_ =	task.clear_ibuf [dreg:s6], $0x2FFFF;
	_ =	strace $0x9FFFFFFF  }
0x39: {  	(tm) =	ssettm $0x7FFFFFFF  }
tec
execute0_lowered:
.L_overlay_start_1:
0x0: {  	(tag) =	ssettag $0x1  }
0x1: {  	s0 =	rddreg [dreg:$0x0]  }
0x2: {  	_ =	strace $0x80000047;
	s3 =	stileid.u32;
	s25 =	srdreg.scid  }
0x3: {  	s12 =	simm.s32 $0x1;
	s31 =	simm.s32 $0x2;
	s28 =	simm.s32 $0x0  }
0x4: {  	p0 =	por $0x0, $0x0;
	s21 =	simm.s32 $0x20;
	s22 =	simm.s32 $0x1000  }
0x5: {  	s29 =	simm.s32 $0x0;
	s1 =	sadd.s32 $0xC03800, s0;
	s4 =	sadd.s32 $0xC0F800, s0  }
0x6: {  	s30 =	simm.s32 $0x0;
	s26 =	sadd.s32 $0xC1B800, s0;
	s27 =	sadd.s32 $0xC27800, s0  }
0x7: {  	s24 =	simm.s32 $0x0;
	s7 =	sadd.s32 $0xC33800, s0;
	s8 =	sadd.s32 $0xC3F800, s0  }
0x8: {  	s23 =	simm.s32 $0x0;
	s10 =	sadd.s32 $0xC4B800, s0;
	s11 =	sadd.s32 $0xC57800, s0  }
0x9: {  	s2 =	sadd.s32 $0x3800, s0;
	s13 =	sadd.s32 $0xC63800, s0;
	s14 =	sadd.s32 $0xC6F800, s0  }
0xa: {  	[sflag:s12] =	ssyncpa.u1 $0x0;
	s15 =	sadd.s32 $0xC7B800, s0;
	s16 =	sadd.s32 $0xC87800, s0  }
.Ltmp0:
0xb: {  	s17 =	sadd.s32 $0xC93800, s0;
	[dreg:$0x2] =	wrdreg s1;
	(pc) =	sbr.rel .LBB1_1-.Ltmp0, $4  }
0xc: {  	s18 =	sadd.s32 $0xC9F800, s0;
	[dreg:$0x3] =	wrdreg s4;
	s1 =	sshll.u32 s25, $0x4  }
0xd: {  	s19 =	sadd.s32 $0xCAB800, s0;
	[dreg:$0x4] =	wrdreg s26;
	s1 =	sand.u32 $0x10, s1  }
0xe: {  	s20 =	sadd.s32 $0xCB7800, s0;
	[dreg:$0x5] =	wrdreg s27;
	s9 =	sor.u32 s3, s1  }
0xf: {  	[sflag:s31] =	ssyncpa.u1 $0x0;
	s26 =	simm.s32 $0x0;
	s25 =	smov.u32 s9  }
.LBB1_7:
0x10: {  	s0 =	sadd.s32 $0x1, s24  }
0x11: {  	s1 =	sadd.s32 $0x20, s25;
	s3 =	smov.u32 s25;
	p2 =	sgt.s32 s0, $0xF  }
0x12: {  	s3 =	smov.u32 @p2 s1  }
0x13: {  	s1 =	simm.s32 $0x1;
	p3 =	sgt.s32 s3, $0x1F  }
0x14: {  	s1 =	simm.s32 @!p3 $0x0  }
0x15: {  	p1 =	slt.u32 s23, $0x2;
	s1 =	sadd.s32 s1, s26  }
0x16: {  	s23 =	sadd.s32 $0x1, s23;
	s0 =	simm.s32 @p2 $0x0;
	p2 =	sgt.s32 s1, $0x2  }
0x17: {  	s1 =	simm.s32 @p2 $0x0;
	p2 =	sne.s32 s23, $0x32  }
.Ltmp1:
0x18: {  	_ = 	snop;
	(pc) =	sbr.rel @!p2 .LBB1_8-.Ltmp1, $4  }
0x19: {  	s28 =	smov.u32 s24;
	s29 =	smov.u32 s25;
	s4 =	simm.s32 @!p1 $0x2  }
0x1a: {  	s30 =	smov.u32 s26;
	p0 =	por !p0, !p0;
	_ =	swait.ge @!p1 [sflag:s4], $0x4000  }
0x1b: {  	[sflag:s4] =	ssyncset.done @!p1 $0x0;
	s24 =	smov.u32 s0;
	s3 =	smov.u32 @p3 s9  }
0x1c: {  	[sflag:s4] =	ssyncadd.s32 @!p1 $0xFFFFC000;
	s25 =	smov.u32 s3;
	s26 =	smov.u32 s1  }
.LBB1_1:
0x1d: {  	p1 =	sgt.u32 s23, $0x2F  }
0x1e: {  	s0 =	sxor.u32 @!p1 $0xFFFFFFFF, s23;
	s1 =	sshll.u32 @!p1 s26, $0x16  }
0x1f: {  	s3 =	sshll.u32 @!p1 s25, $0x11;
	s0 =	sshll.u32 @!p1 s0, $0xE;
	s1 =	sadd.s32 @!p1 s2, s1  }
0x20: {  	s4 =	sshll.u32 @!p1 s24, $0xD;
	s0 =	sand.u32 @!p1 $0x4000, s0;
	s1 =	sadd.s32 @!p1 s3, s1  }
0x21: {  	s3 =	simm.s32 @!p1 $0x20;
	s1 =	sadd.s32 @!p1 s4, s1;
	s4 =	simm.s32 @!p1 $0x80  }
0x22: {  	[tilespmem:s0], [sflag:$0x1] =	stream.strided.gather @!p1 [hbm4b:s1+s3], $0x4000, s4, s3, $0x38;
	[tilespmem:$0x10400] =	vst v63  }
0x23: {  	p1 =	seq.s32 s23, $0x0  }
0x24: {  	p2 =	seq.s32 @!p1 s23, $0x31  }
0x25: {  	p1 =	por p1, p2  }
.Ltmp2:
0x26: {  	_ = 	snop;
	(pc) =	sbr.rel @p1 .LBB1_7-.Ltmp2, $1  }
0x27: {  	_ =	sdelay $0x3  }
0x28: {  	s0 =	simm.s32 $0x1;
	s3 =	sand.u32 $0x1, s23  }
0x29: {  	_ =	swait.ge [sflag:s12], $0x4000;
	s0 =	simm.s32 @!p0 $0x0;
	s3 =	smul.u32 $0x10800, s3  }
0x2a: {  	[sflag:s12] =	ssyncset.done $0x0;
	s1 =	smul.u32 $0x10800, s0  }
0x2b: {  	[sflag:s12] =	ssyncadd.s32 $0xFFFFC000  }
0x2c: {  	s27 =	sshrl.u32 s3, $0x2;
	s3 =	simm.s32 $0x0;
	s1 =	sshrl.u32 s1, $0x2  }
0x2d: {  	s31 =	sor.u32 $0x8000, s27;
	s4 =	sadd.s32 $0x8210, s1;
	s1 =	sshll.u32 s0, $0xE  }
.LBB1_3:
0x2e: {  	v0 =	vmov s1;
	_ =	sdelay $0x3  }
0x2f: {  	s0 =	simm.s32 $0x0  }
0x30: {  	v1 =	vld.idx.msk [tilespmem:v0+s0+$0x10 ss:$0x1], $0xffff  }
0x31: {  	v2 =	vld.idx.msk [tilespmem:v0+s0+$0x0 ss:$0x1], $0xffff;
	_ =	sdelay $0x1  }
0x32: {  	s5 =	simm.s32 $0x80;
	s0 =	smov.u32 s4  }
.LBB1_4:
0x33: {  	s6 =	sshra.s32 s5, $0x2;
	p1 =	sne.s32 s5, $0x780;
	s5 =	sadd.s32 $0x80, s5  }
.Ltmp3:
0x34: {  	[tilespmem:s0+$0x0 ss:$0x21] =	vst.msk $0xffff, v1;
	v1 =	vld.idx.msk [tilespmem:v0+s6+$0x10 ss:$0x1], $0xffff;
	(pc) =	sbr.rel @p1 .LBB1_4-.Ltmp3, $2  }
0x35: {  	[tilespmem:s0+$0xFFFFFDF0 ss:$0x21] =	vst.msk $0xffff, v2;
	v2 =	vld.idx.msk [tilespmem:v0+s6+$0x0 ss:$0x1], $0xffff;
	_ =	sdelay $0x2  }
0x36: {  	s0 =	sadd.s32 $0x420, s0  }
0x37: {  	s3 =	sadd.s32 $0x1, s3  }
0x38: {  	p1 =	sne.s32 s3, $0x20  }
.Ltmp4:
0x39: {  	_ = 	snop;
	(pc) =	sbr.rel @p1 .LBB1_3-.Ltmp4, $3  }
0x3a: {  	_ =	sdelay $0x1  }
0x3b: {  	[tilespmem:s0+$0x0 ss:$0x21] =	vst.msk $0xffff, v1  }
0x3c: {  	s4 =	sadd.s32 $0x1, s4;
	s1 =	sadd.s32 $0x200, s1;
	[tilespmem:s0+$0xFFFFFDF0 ss:$0x21] =	vst.msk $0xffff, v2  }
0x3d: {  	s28 =	smul.u32 $0xC0000, s28  }
0x3e: {  	s30 =	sshll.u32 s30, $0xE  }
0x3f: {  	s0 =	sshll.u32 s29, $0x4;
	s6 =	rddreg [dreg:$0x2];
	s1 =	sadd.s32 s30, s28  }
0x40: {  	s29 =	sand.u32 $0x1F0, s0;
	s0 =	sadd.s32 s6, s1  }
0x41: {  	s1 =	rddreg [dreg:$0x3];
	s0 =	sadd.s32 s29, s0  }
0x42: {  	[hbm4b:s0+s21] =	stream.strided.scatter [tilespmem:s31], [sflag:$0x2], $0x400, s22, s21, $0x10;
	[tilespmem:$0x10400] =	vst v63  }
0x43: {  	s0 =	sadd.s32 s30, s1  }
0x44: {  	s0 =	sadd.s32 s28, s0  }
0x45: {  	s3 =	sadd.s32 $0x8420, s27;
	s4 =	rddreg [dreg:$0x4];
	s0 =	sadd.s32 s29, s0  }
0x46: {  	[hbm4b:s0+s21] =	stream.strided.scatter [tilespmem:s3], [sflag:$0x2], $0x400, s22, s21, $0x10;
	[tilespmem:$0x10400] =	vst v63  }
0x47: {  	s0 =	sadd.s32 s30, s4  }
0x48: {  	s0 =	sadd.s32 s28, s0  }
0x49: {  	s5 =	sadd.s32 $0x8840, s27;
	s6 =	rddreg [dreg:$0x5];
	s0 =	sadd.s32 s29, s0  }
0x4a: {  	[hbm4b:s0+s21] =	stream.strided.scatter [tilespmem:s5], [sflag:$0x2], $0x400, s22, s21, $0x10;
	[tilespmem:$0x10400] =	vst v63  }
0x4b: {  	s0 =	sadd.s32 s30, s6  }
0x4c: {  	s0 =	sadd.s32 s28, s0  }
0x4d: {  	s31 =	sadd.s32 $0x8C60, s27;
	s1 =	sadd.s32 s30, s7;
	s0 =	sadd.s32 s29, s0  }
0x4e: {  	[hbm4b:s0+s21] =	stream.strided.scatter [tilespmem:s31], [sflag:$0x2], $0x400, s22, s21, $0x10;
	[tilespmem:$0x10400] =	vst v63  }
0x4f: {  	s0 =	sadd.s32 s28, s1  }
0x50: {  	s3 =	sadd.s32 $0x9080, s27;
	s4 =	sadd.s32 s30, s8;
	s0 =	sadd.s32 s29, s0  }
0x51: {  	[hbm4b:s0+s21] =	stream.strided.scatter [tilespmem:s3], [sflag:$0x2], $0x400, s22, s21, $0x10;
	[tilespmem:$0x10400] =	vst v63  }
0x52: {  	s0 =	sadd.s32 s28, s4  }
0x53: {  	s5 =	sadd.s32 $0x94A0, s27;
	s6 =	sadd.s32 s30, s10;
	s0 =	sadd.s32 s29, s0  }
0x54: {  	[hbm4b:s0+s21] =	stream.strided.scatter [tilespmem:s5], [sflag:$0x2], $0x400, s22, s21, $0x10;
	[tilespmem:$0x10400] =	vst v63  }
0x55: {  	s0 =	sadd.s32 s28, s6  }
0x56: {  	s31 =	sadd.s32 $0x98C0, s27;
	s1 =	sadd.s32 s30, s11;
	s0 =	sadd.s32 s29, s0  }
0x57: {  	[hbm4b:s0+s21] =	stream.strided.scatter [tilespmem:s31], [sflag:$0x2], $0x400, s22, s21, $0x10;
	[tilespmem:$0x10400] =	vst v63  }
0x58: {  	s0 =	sadd.s32 s28, s1  }
0x59: {  	s3 =	sadd.s32 $0x9CE0, s27;
	s4 =	sadd.s32 s30, s13;
	s0 =	sadd.s32 s29, s0  }
0x5a: {  	[hbm4b:s0+s21] =	stream.strided.scatter [tilespmem:s3], [sflag:$0x2], $0x400, s22, s21, $0x10;
	[tilespmem:$0x10400] =	vst v63  }
0x5b: {  	s0 =	sadd.s32 s28, s4  }
0x5c: {  	s5 =	sadd.s32 $0xA100, s27;
	s6 =	sadd.s32 s30, s14;
	s0 =	sadd.s32 s29, s0  }
0x5d: {  	[hbm4b:s0+s21] =	stream.strided.scatter [tilespmem:s5], [sflag:$0x2], $0x400, s22, s21, $0x10;
	[tilespmem:$0x10400] =	vst v63  }
0x5e: {  	s0 =	sadd.s32 s28, s6  }
0x5f: {  	s31 =	sadd.s32 $0xA520, s27;
	s1 =	sadd.s32 s30, s15;
	s0 =	sadd.s32 s29, s0  }
0x60: {  	[hbm4b:s0+s21] =	stream.strided.scatter [tilespmem:s31], [sflag:$0x2], $0x400, s22, s21, $0x10;
	[tilespmem:$0x10400] =	vst v63  }
0x61: {  	s0 =	sadd.s32 s28, s1  }
0x62: {  	s3 =	sadd.s32 $0xA940, s27;
	s4 =	sadd.s32 s30, s16;
	s0 =	sadd.s32 s29, s0  }
0x63: {  	[hbm4b:s0+s21] =	stream.strided.scatter [tilespmem:s3], [sflag:$0x2], $0x400, s22, s21, $0x10;
	[tilespmem:$0x10400] =	vst v63  }
0x64: {  	s0 =	sadd.s32 s28, s4  }
0x65: {  	s5 =	sadd.s32 $0xAD60, s27;
	s6 =	sadd.s32 s30, s17;
	s0 =	sadd.s32 s29, s0  }
0x66: {  	[hbm4b:s0+s21] =	stream.strided.scatter [tilespmem:s5], [sflag:$0x2], $0x400, s22, s21, $0x10;
	[tilespmem:$0x10400] =	vst v63  }
0x67: {  	s0 =	sadd.s32 s28, s6  }
0x68: {  	s31 =	sadd.s32 $0xB180, s27;
	s3 =	sadd.s32 s30, s18;
	s0 =	sadd.s32 s29, s0  }
0x69: {  	[hbm4b:s0+s21] =	stream.strided.scatter [tilespmem:s31], [sflag:$0x2], $0x400, s22, s21, $0x10;
	[tilespmem:$0x10400] =	vst v63  }
0x6a: {  	s0 =	sadd.s32 s28, s3  }
0x6b: {  	s4 =	sadd.s32 $0xB5A0, s27;
	s5 =	sadd.s32 s30, s19;
	s0 =	sadd.s32 s29, s0  }
0x6c: {  	[hbm4b:s0+s21] =	stream.strided.scatter [tilespmem:s4], [sflag:$0x2], $0x400, s22, s21, $0x10;
	[tilespmem:$0x10400] =	vst v63  }
0x6d: {  	s6 =	sadd.s32 $0xB9C0, s27;
	s0 =	sadd.s32 s28, s5  }
.Ltmp5:
0x6e: {  	s30 =	sadd.s32 s30, s20;
	s0 =	sadd.s32 s29, s0;
	(pc) =	sbr.rel .LBB1_7-.Ltmp5, $4  }
0x6f: {  	[hbm4b:s0+s21] =	stream.strided.scatter [tilespmem:s6], [sflag:$0x2], $0x400, s22, s21, $0x10;
	[tilespmem:$0x10400] =	vst v63  }
0x70: {  	s0 =	sadd.s32 s28, s30  }
0x71: {  	s31 =	sadd.s32 $0xBDE0, s27;
	s0 =	sadd.s32 s29, s0  }
0x72: {  	[hbm4b:s0+s21] =	stream.strided.scatter [tilespmem:s31], [sflag:$0x2], $0x400, s22, s21, $0x10;
	[tilespmem:$0x10400] =	vst v63  }
.LBB1_8:
0x73: {  	_ =	sfence.sel $0x180000  }
0x74: {  	s0 =	simm.s32 $0x1;
	[bflag:$0x0] =	sbarrier.arrive $0xFFFF  }
0x75: {  	s30 =	simm.s32 $0x2;
	[sflag:s0] =	ssyncpa.u1 $0x1  }
0x76: {  	[sflag:s30] =	ssyncpa.u1 $0x1  }
0x77: {  	_ =	strace $0x90000047  }
0x78: {  	s31 =	stileid.u32;
	[bflag:$0x2] =	sbarrier.arrive $0xFFFF  }
0x79: {  	p0 =	sne.s32 s31, $0x0;
	s0 =	rddreg [dreg:$0x1]  }
0x7a: {  	s0 =	sadd.s32 @!p0 $0x100000, s0  }
0x7b: {  	[sflag:s0] =	ssyncadd.tile.s32 @!p0 $0x1;
	_ =	shalt  }
.Lfunc_end1:
_tile_overlayer_lowered:
.L_overlay_start_2:
0x7c: {  	(tag) =	ssettag $0x2  }
0x7d: {  	s0 =	rddreg [dreg:$0x0];
	s2 =	stileid.u32  }
0x7e: {  	s1 =	rddreg [dreg:$0x1];
	p0 =	sne.s32 s2, $0x0  }
0x7f: {  	s3 =	rddreg [dreg:$0x2];
	[bflag:$0x3] =	sbarrier.arrive $0xFFFF;
	s2 =	simm.s32 @!p0 $0x1C01  }
0x80: {  	[timem:s3], [sflag:s2] =	dma.local @!p0 [hbm:s0], s1  }
0x81: {  	s0 =	simm.s32 @!p0 $0x1  }
0x82: {  	_ =	swait.ge @!p0 [sflag:s0], s1  }
0x83: {  	s1 =	ssub.s32 @!p0 $0x0, s1;
	[sflag:s0] =	ssyncset.done @!p0 $0x0  }
0x84: {  	[sflag:s0] =	ssyncadd.s32 @!p0 s1  }
0x85: {  	[bflag:$0x3] =	sbarrier.arrive $0xFFFF  }
0x86: {  	_ =	shalt  }

// kernel: sparse-core-data-format-call.cloned.1.call-start
scs
called_computation_lowered:
.L_overlay_start_0:
0x0: {  	s2 =	sld [smem:$0x3FD9]  }
0x1: {  	s3 =	sld [smem:$0x3FFE];
	_ =	sdelay $0x1  }
0x2: {  	s1 =	srdreg.scid  }
0x3: {  	s0 =	sand.u32 $0x1, s1  }
0x4: {  	s18 =	sshll.u32 s0, $0xA;
	s2 =	sadd.s32 s3, s2  }
0x5: {  	s2 =	sadd.s32 s2, s18  }
0x6: {  	[smem:$0x3FBE] =	sst s2  }
0x7: {  	_ = 	snop  }
0x8: {  	(tm) =	ssettm $0x1  }
0x9: {  	s19 =	sld [smem:$0x3FFB];
	_ =	sdelay $0x3  }
0xa: {  	_ =	strace s19  }
0xb: {  	s2 =	sld [smem:$0x3FFC];
	_ =	sdelay $0x3  }
0xc: {  	_ =	strace s2  }
0xd: {  	s2 =	sld [smem:$0x3FFD];
	_ =	sdelay $0x3  }
0xe: {  	_ =	strace s2  }
0xf: {  	_ =	strace $0x8FFFFFFF  }
0x10: {  	s20 =	sld [smem:$0x3FDB];
	_ =	sdelay $0x1  }
0x11: {  	s21 =	simm.s32 $_scs_section_size  }
0x12: {  	s4 =	simm.s32 $_size__tile_overlayer_lowered;
	s5 =	simm.s32 $_tile_overlayer_lowered  }
0x13: {  	s6 =	simm.s32 $0x1BFF;
	s22 =	sshll.u32 s5, $0x1;
	s3 =	sadd.s32 s21, s20  }
0x14: {  	s23 =	simm.s32 $0x0;
	s4 =	sshll.u32 s4, $0x1;
	s5 =	sadd.s32 s22, s3  }
0x15: {  	[timem:s23], [sflag:s6] =	dma.local [hbm:s5], s4  }
0x16: {  	_ =	swait.ge [sflag:s6], s4  }
0x17: {  	s4 =	ssub.s32 $0x0, s4;
	[sflag:s6] =	ssyncset.done $0x0  }
0x18: {  	[sflag:s6] =	ssyncadd.s32 s4;
	_ =	sdelay $0x1  }
0x19: {  	s24 =	simm.s32 $0x1B8B  }
0x1a: {  	_ =	swait.ge [sflag:s24], $0x1  }
0x1b: {  	[sflag:s24] =	ssyncset.done $0x0  }
0x1c: {  	[sflag:s24] =	ssyncadd.s32 $0xFFFFFFFF  }
0x1d: {  	s4 =	sld [smem:$0x0]  }
0x1e: {  	s5 =	sand.u32 $0xFFFFFFFE, s1  }
0x1f: {  	p0 =	sne.s32 s1, s5  }
0x20: {  	s5 =	sshll.u32 @p0 s5, $0xE  }
0x21: {  	s5 =	sadd.s32 @p0 $0x11B8D, s5;
	s6 =	sshll.u32 @p0 s4, $0x11  }
0x22: {  	s5 =	sor.u32 @p0 s6, s5  }
0x23: {  	[sflag:s5] =	ssyncadd.remote.s32 @p0 $0x1;
	_ =	sdelay $0x1  }
0x24: {  	s5 =	simm.s32 @p0 $0x1B8D  }
0x25: {  	_ =	swait.eq @p0 [sflag:s5], $0x1  }
0x26: {  	[sflag:s5] =	ssyncadd.s32 @p0 $0xFFFFFFFF  }
0x27: {  	s6 =	sshll.u32 @!p0 s1, $0xE  }
0x28: {  	s6 =	sor.u32 @!p0 $0x4000, s6;
	s5 =	simm.s32 @!p0 $0x1B8D  }
0x29: {  	s4 =	sshll.u32 @!p0 s4, $0x11;
	s6 =	sadd.s32 @!p0 $0x11B8D, s6;
	_ =	swait.eq @!p0 [sflag:s5], $0x1  }
0x2a: {  	s4 =	sor.u32 @!p0 s4, s6;
	[sflag:s5] =	ssyncadd.s32 @!p0 $0xFFFFFFFF  }
0x2b: {  	s26 =	simm.s32 $0x1B8E;
	s25 =	sld [smem:$0x3FFE];
	[sflag:s4] =	ssyncadd.remote.s32 @!p0 $0x1  }
0x2c: {  	s27 =	simm.s32 $execute0_lowered;
	[smem:$0x3FD2] =	sst s26  }
0x2d: {  	s5 =	sshll.u32 s27, $0x1;
	_ =	strace $0x80000049;
	[dreg:$0x1] =	wrdreg $0xFFFFFFFF  }
0x2e: {  	s28 =	simm.s32 $_size_execute0_lowered;
	s3 =	sadd.s32 s3, s5;
	[dreg:$0x0] =	wrdreg $0x0  }
0x2f: {  	s5 =	sshll.u32 s28, $0x1;
	[dreg:$0x2] =	wrdreg s3  }
0x30: {  	[dreg:$0x3] =	wrdreg s5  }
0x31: {  	[dreg:$0x4] =	wrdreg $0xC0  }
0x32: {  	_ =	task [dreg:s23], $0x5FFFF  }
0x33: {  	[dreg:$0x1] =	wrdreg $0xFFFFFFFF  }
0x34: {  	[dreg:$0x0] =	wrdreg $0x60  }
0x35: {  	[dreg:$0x2] =	wrdreg s25  }
0x36: {  	[dreg:$0x3] =	wrdreg $0x9  }
0x37: {  	_ =	task.clear_ibuf [dreg:s23], $0x4FFFF;
	_ =	strace $0x90000049  }
0x38: {  	s29 =	simm.s32 $0x9;
	_ =	strace $0x8000004B  }
0x39: {  	_ =	swait.ge [sflag:s29], $0x1  }
0x3a: {  	[sflag:s29] =	ssyncadd.s32 $0xFFFFFFFF  }
0x3b: {  	_ =	strace $0x9000004B  }
0x3c: {  	_ =	sfence  }
0x3d: {  	s30 =	sld [smem:$0x0];
	_ =	sdelay $0x2  }
0x3e: {  	s31 =	sshll.u32 s1, $0xD;
	s1 =	sshrl.u32 s1, $0x2  }
0x3f: {  	s4 =	sand.u32 $0x4000, s31;
	s1 =	sadd.s32 s1, s30  }
0x40: {  	s0 =	sor.u32 s4, s0;
	s1 =	sshll.u32 s1, $0x11  }
0x41: {  	s0 =	sor.u32 s1, s0  }
0x42: {  	s0 =	sadd.s32 $0x8F2B, s0  }
0x43: {  	[sflag:s0] =	ssyncadd.remote.s32 $0x1  }
0x44: {  	_ =	sfence.sel $0xFFFF  }
0x45: {  	[dreg:$0x0] =	wrdreg $0xFFFFFFFF;
	(pc) =	sbr.abs _section_cstart, $3  }
0x46: {  	[dreg:$0x1] =	wrdreg $0xFFFFFFFF  }
0x47: {  	_ =	task.clear_ibuf [dreg:s23], $0x2FFFF;
	_ =	strace $0x9FFFFFFF  }
0x48: {  	(tm) =	ssettm $0x7FFFFFFF  }
0x49: {  	_ =	shalt  }
tec
execute0_lowered:
.L_overlay_start_1:
0x0: {  	(tag) =	ssettag $0x1  }
0x1: {  	s0 =	rddreg [dreg:$0x0]  }
0x2: {  	_ =	strace $0x8000004A;
	s3 =	stileid.u32;
	s25 =	srdreg.scid  }
0x3: {  	s12 =	simm.s32 $0x1;
	s31 =	simm.s32 $0x2;
	s28 =	simm.s32 $0x0  }
0x4: {  	p0 =	por $0x0, $0x0;
	s22 =	simm.s32 $0x1000;
	s2 =	sadd.s32 $0x1803800, s0  }
0x5: {  	s21 =	simm.s32 $0x20;
	s1 =	sadd.s32 $0x2403800, s0;
	s4 =	sadd.s32 $0x240F800, s0  }
0x6: {  	s29 =	simm.s32 $0x0;
	s26 =	sadd.s32 $0x241B800, s0;
	s27 =	sadd.s32 $0x2427800, s0  }
0x7: {  	s30 =	simm.s32 $0x0;
	s7 =	sadd.s32 $0x2433800, s0;
	s8 =	sadd.s32 $0x243F800, s0  }
0x8: {  	s24 =	simm.s32 $0x0;
	s10 =	sadd.s32 $0x244B800, s0;
	s11 =	sadd.s32 $0x2457800, s0  }
0x9: {  	s23 =	simm.s32 $0x0;
	s13 =	sadd.s32 $0x2463800, s0;
	s14 =	sadd.s32 $0x246F800, s0  }
0xa: {  	[sflag:s12] =	ssyncpa.u1 $0x0;
	s15 =	sadd.s32 $0x247B800, s0;
	s16 =	sadd.s32 $0x2487800, s0  }
.Ltmp0:
0xb: {  	s17 =	sadd.s32 $0x2493800, s0;
	[dreg:$0x2] =	wrdreg s1;
	(pc) =	sbr.rel .LBB1_1-.Ltmp0, $4  }
0xc: {  	s18 =	sadd.s32 $0x249F800, s0;
	[dreg:$0x3] =	wrdreg s4;
	s1 =	sshll.u32 s25, $0x4  }
0xd: {  	s19 =	sadd.s32 $0x24AB800, s0;
	[dreg:$0x4] =	wrdreg s26;
	s1 =	sand.u32 $0x10, s1  }
0xe: {  	s20 =	sadd.s32 $0x24B7800, s0;
	[dreg:$0x5] =	wrdreg s27;
	s9 =	sor.u32 s3, s1  }
0xf: {  	[sflag:s31] =	ssyncpa.u1 $0x0;
	s26 =	simm.s32 $0x0;
	s25 =	smov.u32 s9  }
.LBB1_7:
0x10: {  	s0 =	sadd.s32 $0x1, s24  }
0x11: {  	s1 =	sadd.s32 $0x20, s25;
	s3 =	smov.u32 s25;
	p2 =	sgt.s32 s0, $0xF  }
0x12: {  	s3 =	smov.u32 @p2 s1  }
0x13: {  	s1 =	simm.s32 $0x1;
	p3 =	sgt.s32 s3, $0x1F  }
0x14: {  	s1 =	simm.s32 @!p3 $0x0  }
0x15: {  	p1 =	slt.u32 s23, $0x2;
	s1 =	sadd.s32 s1, s26  }
0x16: {  	s23 =	sadd.s32 $0x1, s23;
	s0 =	simm.s32 @p2 $0x0;
	p2 =	sgt.s32 s1, $0x2  }
0x17: {  	s1 =	simm.s32 @p2 $0x0;
	p2 =	sne.s32 s23, $0x32  }
.Ltmp1:
0x18: {  	_ = 	snop;
	(pc) =	sbr.rel @!p2 .LBB1_8-.Ltmp1, $4  }
0x19: {  	s28 =	smov.u32 s24;
	s29 =	smov.u32 s25;
	s4 =	simm.s32 @!p1 $0x2  }
0x1a: {  	s30 =	smov.u32 s26;
	p0 =	por !p0, !p0;
	_ =	swait.ge @!p1 [sflag:s4], $0x4000  }
0x1b: {  	[sflag:s4] =	ssyncset.done @!p1 $0x0;
	s24 =	smov.u32 s0;
	s3 =	smov.u32 @p3 s9  }
0x1c: {  	[sflag:s4] =	ssyncadd.s32 @!p1 $0xFFFFC000;
	s25 =	smov.u32 s3;
	s26 =	smov.u32 s1  }
.LBB1_1:
0x1d: {  	p1 =	sgt.u32 s23, $0x2F  }
0x1e: {  	s0 =	sxor.u32 @!p1 $0xFFFFFFFF, s23;
	s1 =	sshll.u32 @!p1 s26, $0x16  }
0x1f: {  	s3 =	sshll.u32 @!p1 s25, $0x11;
	s0 =	sshll.u32 @!p1 s0, $0xE;
	s1 =	sadd.s32 @!p1 s2, s1  }
0x20: {  	s4 =	sshll.u32 @!p1 s24, $0xD;
	s0 =	sand.u32 @!p1 $0x4000, s0;
	s1 =	sadd.s32 @!p1 s3, s1  }
0x21: {  	s3 =	simm.s32 @!p1 $0x20;
	s1 =	sadd.s32 @!p1 s4, s1;
	s4 =	simm.s32 @!p1 $0x80  }
0x22: {  	[tilespmem:s0], [sflag:$0x1] =	stream.strided.gather @!p1 [hbm4b:s1+s3], $0x4000, s4, s3, $0x38;
	[tilespmem:$0x10400] =	vst v63  }
0x23: {  	p1 =	seq.s32 s23, $0x0  }
0x24: {  	p2 =	seq.s32 @!p1 s23, $0x31  }
0x25: {  	p1 =	por p1, p2  }
.Ltmp2:
0x26: {  	_ = 	snop;
	(pc) =	sbr.rel @p1 .LBB1_7-.Ltmp2, $1  }
0x27: {  	_ =	sdelay $0x3  }
0x28: {  	s0 =	simm.s32 $0x1;
	s3 =	sand.u32 $0x1, s23  }
0x29: {  	_ =	swait.ge [sflag:s12], $0x4000;
	s0 =	simm.s32 @!p0 $0x0;
	s3 =	smul.u32 $0x10800, s3  }
0x2a: {  	[sflag:s12] =	ssyncset.done $0x0;
	s1 =	smul.u32 $0x10800, s0  }
0x2b: {  	[sflag:s12] =	ssyncadd.s32 $0xFFFFC000  }
0x2c: {  	s27 =	sshrl.u32 s3, $0x2;
	s3 =	simm.s32 $0x0;
	s1 =	sshrl.u32 s1, $0x2  }
0x2d: {  	s31 =	sor.u32 $0x8000, s27;
	s4 =	sadd.s32 $0x8210, s1;
	s1 =	sshll.u32 s0, $0xE  }
.LBB1_3:
0x2e: {  	v0 =	vmov s1;
	_ =	sdelay $0x3  }
0x2f: {  	s0 =	simm.s32 $0x0  }
0x30: {  	v1 =	vld.idx.msk [tilespmem:v0+s0+$0x10 ss:$0x1], $0xffff  }
0x31: {  	v2 =	vld.idx.msk [tilespmem:v0+s0+$0x0 ss:$0x1], $0xffff;
	_ =	sdelay $0x1  }
0x32: {  	s5 =	simm.s32 $0x80;
	s0 =	smov.u32 s4  }
.LBB1_4:
0x33: {  	s6 =	sshra.s32 s5, $0x2;
	p1 =	sne.s32 s5, $0x780;
	s5 =	sadd.s32 $0x80, s5  }
.Ltmp3:
0x34: {  	[tilespmem:s0+$0x0 ss:$0x21] =	vst.msk $0xffff, v1;
	v1 =	vld.idx.msk [tilespmem:v0+s6+$0x10 ss:$0x1], $0xffff;
	(pc) =	sbr.rel @p1 .LBB1_4-.Ltmp3, $2  }
0x35: {  	[tilespmem:s0+$0xFFFFFDF0 ss:$0x21] =	vst.msk $0xffff, v2;
	v2 =	vld.idx.msk [tilespmem:v0+s6+$0x0 ss:$0x1], $0xffff;
	_ =	sdelay $0x2  }
0x36: {  	s0 =	sadd.s32 $0x420, s0  }
0x37: {  	s3 =	sadd.s32 $0x1, s3  }
0x38: {  	p1 =	sne.s32 s3, $0x20  }
.Ltmp4:
0x39: {  	_ = 	snop;
	(pc) =	sbr.rel @p1 .LBB1_3-.Ltmp4, $3  }
0x3a: {  	_ =	sdelay $0x1  }
0x3b: {  	[tilespmem:s0+$0x0 ss:$0x21] =	vst.msk $0xffff, v1  }
0x3c: {  	s4 =	sadd.s32 $0x1, s4;
	s1 =	sadd.s32 $0x200, s1;
	[tilespmem:s0+$0xFFFFFDF0 ss:$0x21] =	vst.msk $0xffff, v2  }
0x3d: {  	s28 =	smul.u32 $0xC0000, s28  }
0x3e: {  	s30 =	sshll.u32 s30, $0xE  }
0x3f: {  	s0 =	sshll.u32 s29, $0x4;
	s6 =	rddreg [dreg:$0x2];
	s1 =	sadd.s32 s30, s28  }
0x40: {  	s29 =	sand.u32 $0x1F0, s0;
	s0 =	sadd.s32 s6, s1  }
0x41: {  	s1 =	rddreg [dreg:$0x3];
	s0 =	sadd.s32 s29, s0  }
0x42: {  	[hbm4b:s0+s21] =	stream.strided.scatter [tilespmem:s31], [sflag:$0x2], $0x400, s22, s21, $0x10;
	[tilespmem:$0x10400] =	vst v63  }
0x43: {  	s0 =	sadd.s32 s30, s1  }
0x44: {  	s0 =	sadd.s32 s28, s0  }
0x45: {  	s3 =	sadd.s32 $0x8420, s27;
	s4 =	rddreg [dreg:$0x4];
	s0 =	sadd.s32 s29, s0  }
0x46: {  	[hbm4b:s0+s21] =	stream.strided.scatter [tilespmem:s3], [sflag:$0x2], $0x400, s22, s21, $0x10;
	[tilespmem:$0x10400] =	vst v63  }
0x47: {  	s0 =	sadd.s32 s30, s4  }
0x48: {  	s0 =	sadd.s32 s28, s0  }
0x49: {  	s5 =	sadd.s32 $0x8840, s27;
	s6 =	rddreg [dreg:$0x5];
	s0 =	sadd.s32 s29, s0  }
0x4a: {  	[hbm4b:s0+s21] =	stream.strided.scatter [tilespmem:s5], [sflag:$0x2], $0x400, s22, s21, $0x10;
	[tilespmem:$0x10400] =	vst v63  }
0x4b: {  	s0 =	sadd.s32 s30, s6  }
0x4c: {  	s0 =	sadd.s32 s28, s0  }
0x4d: {  	s31 =	sadd.s32 $0x8C60, s27;
	s1 =	sadd.s32 s30, s7;
	s0 =	sadd.s32 s29, s0  }
0x4e: {  	[hbm4b:s0+s21] =	stream.strided.scatter [tilespmem:s31], [sflag:$0x2], $0x400, s22, s21, $0x10;
	[tilespmem:$0x10400] =	vst v63  }
0x4f: {  	s0 =	sadd.s32 s28, s1  }
0x50: {  	s3 =	sadd.s32 $0x9080, s27;
	s4 =	sadd.s32 s30, s8;
	s0 =	sadd.s32 s29, s0  }
0x51: {  	[hbm4b:s0+s21] =	stream.strided.scatter [tilespmem:s3], [sflag:$0x2], $0x400, s22, s21, $0x10;
	[tilespmem:$0x10400] =	vst v63  }
0x52: {  	s0 =	sadd.s32 s28, s4  }
0x53: {  	s5 =	sadd.s32 $0x94A0, s27;
	s6 =	sadd.s32 s30, s10;
	s0 =	sadd.s32 s29, s0  }
0x54: {  	[hbm4b:s0+s21] =	stream.strided.scatter [tilespmem:s5], [sflag:$0x2], $0x400, s22, s21, $0x10;
	[tilespmem:$0x10400] =	vst v63  }
0x55: {  	s0 =	sadd.s32 s28, s6  }
0x56: {  	s31 =	sadd.s32 $0x98C0, s27;
	s1 =	sadd.s32 s30, s11;
	s0 =	sadd.s32 s29, s0  }
0x57: {  	[hbm4b:s0+s21] =	stream.strided.scatter [tilespmem:s31], [sflag:$0x2], $0x400, s22, s21, $0x10;
	[tilespmem:$0x10400] =	vst v63  }
0x58: {  	s0 =	sadd.s32 s28, s1  }
0x59: {  	s3 =	sadd.s32 $0x9CE0, s27;
	s4 =	sadd.s32 s30, s13;
	s0 =	sadd.s32 s29, s0  }
0x5a: {  	[hbm4b:s0+s21] =	stream.strided.scatter [tilespmem:s3], [sflag:$0x2], $0x400, s22, s21, $0x10;
	[tilespmem:$0x10400] =	vst v63  }
0x5b: {  	s0 =	sadd.s32 s28, s4  }
0x5c: {  	s5 =	sadd.s32 $0xA100, s27;
	s6 =	sadd.s32 s30, s14;
	s0 =	sadd.s32 s29, s0  }
0x5d: {  	[hbm4b:s0+s21] =	stream.strided.scatter [tilespmem:s5], [sflag:$0x2], $0x400, s22, s21, $0x10;
	[tilespmem:$0x10400] =	vst v63  }
0x5e: {  	s0 =	sadd.s32 s28, s6  }
0x5f: {  	s31 =	sadd.s32 $0xA520, s27;
	s1 =	sadd.s32 s30, s15;
	s0 =	sadd.s32 s29, s0  }
0x60: {  	[hbm4b:s0+s21] =	stream.strided.scatter [tilespmem:s31], [sflag:$0x2], $0x400, s22, s21, $0x10;
	[tilespmem:$0x10400] =	vst v63  }
0x61: {  	s0 =	sadd.s32 s28, s1  }
0x62: {  	s3 =	sadd.s32 $0xA940, s27;
	s4 =	sadd.s32 s30, s16;
	s0 =	sadd.s32 s29, s0  }
0x63: {  	[hbm4b:s0+s21] =	stream.strided.scatter [tilespmem:s3], [sflag:$0x2], $0x400, s22, s21, $0x10;
	[tilespmem:$0x10400] =	vst v63  }
0x64: {  	s0 =	sadd.s32 s28, s4  }
0x65: {  	s5 =	sadd.s32 $0xAD60, s27;
	s6 =	sadd.s32 s30, s17;
	s0 =	sadd.s32 s29, s0  }
0x66: {  	[hbm4b:s0+s21] =	stream.strided.scatter [tilespmem:s5], [sflag:$0x2], $0x400, s22, s21, $0x10;
	[tilespmem:$0x10400] =	vst v63  }
0x67: {  	s0 =	sadd.s32 s28, s6  }
0x68: {  	s31 =	sadd.s32 $0xB180, s27;
	s3 =	sadd.s32 s30, s18;
	s0 =	sadd.s32 s29, s0  }
0x69: {  	[hbm4b:s0+s21] =	stream.strided.scatter [tilespmem:s31], [sflag:$0x2], $0x400, s22, s21, $0x10;
	[tilespmem:$0x10400] =	vst v63  }
0x6a: {  	s0 =	sadd.s32 s28, s3  }
0x6b: {  	s4 =	sadd.s32 $0xB5A0, s27;
	s5 =	sadd.s32 s30, s19;
	s0 =	sadd.s32 s29, s0  }
0x6c: {  	[hbm4b:s0+s21] =	stream.strided.scatter [tilespmem:s4], [sflag:$0x2], $0x400, s22, s21, $0x10;
	[tilespmem:$0x10400] =	vst v63  }
0x6d: {  	s6 =	sadd.s32 $0xB9C0, s27;
	s0 =	sadd.s32 s28, s5  }
.Ltmp5:
0x6e: {  	s30 =	sadd.s32 s30, s20;
	s0 =	sadd.s32 s29, s0;
	(pc) =	sbr.rel .LBB1_7-.Ltmp5, $4  }
0x6f: {  	[hbm4b:s0+s21] =	stream.strided.scatter [tilespmem:s6], [sflag:$0x2], $0x400, s22, s21, $0x10;
	[tilespmem:$0x10400] =	vst v63  }
0x70: {  	s0 =	sadd.s32 s28, s30  }
0x71: {  	s31 =	sadd.s32 $0xBDE0, s27;
	s0 =	sadd.s32 s29, s0  }
0x72: {  	[hbm4b:s0+s21] =	stream.strided.scatter [tilespmem:s31], [sflag:$0x2], $0x400, s22, s21, $0x10;
	[tilespmem:$0x10400] =	vst v63  }
.LBB1_8:
0x73: {  	_ =	sfence.sel $0x180000  }
0x74: {  	s0 =	simm.s32 $0x1;
	[bflag:$0x0] =	sbarrier.arrive $0xFFFF  }
0x75: {  	s30 =	simm.s32 $0x2;
	[sflag:s0] =	ssyncpa.u1 $0x1  }
0x76: {  	[sflag:s30] =	ssyncpa.u1 $0x1  }
0x77: {  	_ =	strace $0x9000004A  }
0x78: {  	s31 =	stileid.u32;
	[bflag:$0x2] =	sbarrier.arrive $0xFFFF  }
0x79: {  	p0 =	sne.s32 s31, $0x0;
	s0 =	rddreg [dreg:$0x1]  }
0x7a: {  	s0 =	sadd.s32 @!p0 $0x100000, s0  }
0x7b: {  	[sflag:s0] =	ssyncadd.tile.s32 @!p0 $0x1;
	_ =	shalt  }
.Lfunc_end1:
_tile_overlayer_lowered:
.L_overlay_start_2:
0x7c: {  	(tag) =	ssettag $0x2  }
0x7d: {  	s0 =	rddreg [dreg:$0x0];
	s2 =	stileid.u32  }
0x7e: {  	s1 =	rddreg [dreg:$0x1];
	p0 =	sne.s32 s2, $0x0  }
0x7f: {  	s3 =	rddreg [dreg:$0x2];
	[bflag:$0x3] =	sbarrier.arrive $0xFFFF;
	s2 =	simm.s32 @!p0 $0x1C01  }
0x80: {  	[timem:s3], [sflag:s2] =	dma.local @!p0 [hbm:s0], s1  }
0x81: {  	s0 =	simm.s32 @!p0 $0x1  }
0x82: {  	_ =	swait.ge @!p0 [sflag:s0], s1  }
0x83: {  	s1 =	ssub.s32 @!p0 $0x0, s1;
	[sflag:s0] =	ssyncset.done @!p0 $0x0  }
0x84: {  	[sflag:s0] =	ssyncadd.s32 @!p0 s1  }
0x85: {  	[bflag:$0x3] =	sbarrier.arrive $0xFFFF  }
0x86: {  	_ =	shalt  }

</sc_bundles>
